<compile_context>
chip_gen: v7x
topology: tpu7x:2x2x1
jax: 0.10.2.dev20260603
libtpu: 0.0.44.dev20260713+nightly
codegen_flags: <defaults>
</compile_context>

<pallas_src>
import functools

import jax
import jax.numpy as jnp
from jax import lax
from jax.experimental import pallas as pl
from jax.experimental.pallas import tpu as pltpu
from jax.experimental.pallas import tpu_sc as plsc

_K = 512
_NITERS = 10
_D = 128

_BN = 4096

_NC = 2
_NS = 16
_NW = _NC * _NS
_CH = 128


def _assign_body(x_ref, c_ref, out_ref, cnt_ref):
    xb = x_ref[...]
    c = c_ref[...]
    c2 = jnp.sum(c * c, axis=1)
    x2 = jnp.sum(xb * xb, axis=1, keepdims=True)
    prod = lax.dot_general(xb, c, (((1,), (1,)), ((), ())),
                           preferred_element_type=jnp.float32)
    d = x2 - 2.0 * prod + c2[None, :]
    m = jnp.min(d, axis=1, keepdims=True)
    ids = lax.broadcasted_iota(jnp.int32, d.shape, 1)
    chosen = jnp.min(jnp.where(d == m, ids, _K), axis=1)
    out_ref[...] = chosen.astype(jnp.int32)

    onehot = (ids == chosen[:, None]).astype(jnp.float32)
    blk_counts = jnp.sum(onehot, axis=0)

    @pl.when(pl.program_id(0) == 0)
    def _():
        cnt_ref[...] = jnp.zeros_like(cnt_ref)

    cnt_ref[...] += blk_counts


def _assign(x, centroids):
    n, d = x.shape
    nb = n // _BN
    return pl.pallas_call(
        _assign_body,
        grid=(nb,),
        in_specs=[
            pl.BlockSpec((_BN, d), lambda i: (i, 0)),
            pl.BlockSpec((_K, d), lambda i: (0, 0)),
        ],
        out_specs=[
            pl.BlockSpec((_BN,), lambda i: (i,)),
            pl.BlockSpec((_K,), lambda i: (0,)),
        ],
        out_shape=[
            jax.ShapeDtypeStruct((n,), jnp.int32),
            jax.ShapeDtypeStruct((_K,), jnp.float32),
        ],
    )(x, centroids)


def _sc_update_body(x, clus, zeros, out,
                    buf0, buf1, idx0, idx1, acc, sem0, sem1):
    cid = lax.axis_index("c")
    sid = lax.axis_index("s")
    wid = sid * _NC + cid
    rows_per_w = 65536 // _NW
    base = wid * rows_per_w
    rows_per_tile = _K // _NS
    nch = rows_per_w // _CH

    bufs = (buf0, buf1)
    idxs = (idx0, idx1)
    sems = (sem0, sem1)

    pending = [None, None]
    pending[0] = (
        pltpu.async_copy(clus.at[pl.ds(base, _CH)], idx0, sem0),
        pltpu.async_copy(x.at[pl.ds(base, _CH)], buf0, sem0),
    )

    pltpu.sync_copy(zeros.at[pl.ds(sid * rows_per_tile, rows_per_tile)],
                    acc.at[pl.ds(sid * rows_per_tile, rows_per_tile)])
    plsc.subcore_barrier()

    for g in range(nch):
        b = g & 1
        if g + 1 < nch:
            off = base + (g + 1) * _CH
            pending[1 - b] = (
                pltpu.async_copy(clus.at[pl.ds(off, _CH)], idxs[1 - b],
                                 sems[1 - b]),
                pltpu.async_copy(x.at[pl.ds(off, _CH)], bufs[1 - b],
                                 sems[1 - b]),
            )
        for cp in pending[b]:
            cp.wait()
        pltpu.sync_copy(bufs[b], acc.at[idxs[b]], add=True)
    plsc.subcore_barrier()

    pltpu.sync_copy(acc.at[pl.ds(sid * rows_per_tile, rows_per_tile)],
                    out.at[cid, pl.ds(sid * rows_per_tile, rows_per_tile)])


@functools.cache
def _make_sc_update():
    return pl.kernel(
        _sc_update_body,
        out_type=jax.ShapeDtypeStruct((_NC, _K, _D), jnp.float32),
        mesh=plsc.VectorSubcoreMesh(core_axis_name="c", subcore_axis_name="s"),
        scratch_types=[
            pltpu.VMEM((_CH, _D), jnp.float32),
            pltpu.VMEM((_CH, _D), jnp.float32),
            pltpu.VMEM((_CH,), jnp.int32),
            pltpu.VMEM((_CH,), jnp.int32),
            pltpu.VMEM_SHARED((_K, _D), jnp.float32),
            pltpu.SemaphoreType.DMA,
            pltpu.SemaphoreType.DMA,
        ],
    )


def kernel(x):
    n, d = x.shape
    zeros = jnp.zeros((_K, _D), jnp.float32)

    def body(_, carry):
        centroids, _, _ = carry
        clusters, counts = _assign(x, centroids)
        part = _make_sc_update()(x, clusters, zeros)
        sums = part[0] + part[1]
        centroids = sums / counts[:, None]
        return centroids, counts, clusters

    init = (x[:_K, :], jnp.ones((_K,), jnp.float32),
            jnp.zeros((n,), jnp.int32))
    centroids, counts, clusters = lax.fori_loop(0, _NITERS, body, init)
    return clusters.astype(jnp.int64), centroids, counts

# --- scband reference (transcript-rebuilt; emitter-appended) ---
"""Pipeline reference for scband-kmeans-23098334118326 (READ-ONLY COPY).

The authoritative reference and input builder live on the scoring server;
editing this copy changes nothing except your own understanding.
"""

import jax, jax.numpy as jnp
import numpy as np

K = 512
NITERS = 10


def setup_inputs(seed: int = 0) -> dict:
    key = jax.random.key(seed)
    x = jax.random.normal(key, (65536, 128), dtype=jnp.float32)
    return {"x": x}


def reference(x):
    # Faithful JAX translation of Lloyd's algorithm as in the torch/KeOps module.
    # centroids initialized from the first K points; each iteration:
    #   D_ij = ||x_i - c_j||^2 (computed via the expanded quadratic form to avoid
    #   materializing the N x K x D tensor, mathematically identical)
    #   clusters = argmin_j D_ij
    #   centroids = scatter_add(x by clusters) / bincount(clusters)
    N, D = x.shape
    centroids = x[:K, :]
    x2 = jnp.sum(x * x, axis=-1, keepdims=True)  # [N, 1]
    clusters = jnp.zeros((N,), dtype=jnp.int32)
    n_points = jnp.zeros((K,), dtype=x.dtype)
    for _ in range(NITERS):
        c2 = jnp.sum(centroids * centroids, axis=-1)  # [K]
        D_ij = x2 - 2.0 * (x @ centroids.T) + c2[None, :]  # [N, K]
        clusters = jnp.argmin(D_ij, axis=1)
        sums = jax.ops.segment_sum(x, clusters, num_segments=K)  # scatter_add
        n_points = jnp.bincount(clusters, minlength=K, length=K).astype(x.dtype)
        centroids = sums / n_points[:, None]
    return clusters.astype(jnp.int64), centroids, n_points

if __name__ == "__main__":
    import jax
    _d = setup_inputs()
    print(jax.jit(kernel)(*tuple(_d.values())))

</pallas_src>

<mosaic_0001>
#map = affine_map<(d0, d1) -> (0, 0)>
#map1 = affine_map<(d0, d1) -> (0)>
#map2 = affine_map<(d0, d1) -> (0, 0, 0)>
module attributes {stable_mosaic.version = 14 : i64} {
  func.func @_sc_update_body(%arg0: i32, %arg1: i32, %arg2: memref<65536x128xf32, #tpu.memory_space<hbm>>, %arg3: memref<65536xi32, #tpu.memory_space<hbm>>, %arg4: memref<512x128xf32, #tpu.memory_space<hbm>>, %arg5: memref<2x512x128xf32, #tpu.memory_space<hbm>>, %arg6: memref<128x128xf32, #tpu.memory_space<vmem>>, %arg7: memref<128x128xf32, #tpu.memory_space<vmem>>, %arg8: memref<128xi32, #tpu.memory_space<vmem>>, %arg9: memref<128xi32, #tpu.memory_space<vmem>>, %arg10: memref<512x128xf32, #tpu.memory_space<vmem_shared>>, %arg11: memref<!tpu.dma_semaphore, #tpu.memory_space<semaphore_mem>>, %arg12: memref<!tpu.dma_semaphore, #tpu.memory_space<semaphore_mem>>) attributes {dimension_semantics = [#tpu.dimension_semantics<core_parallel>, #tpu.dimension_semantics<subcore_parallel>], iteration_bounds = array<i64: 2, 16>, scalar_prefetch = 0 : i64, scratch_operands = 7 : i64, tpu.core_type = #tpu.core_type<sc_vector_subcore>, window_params = [{transform_indices = #map}, {transform_indices = #map1}, {transform_indices = #map}, {transform_indices = #map2}]} {
    %mul3A = arith.constant 2 : i32
    %mul3A_0 = arith.muli %arg1, %mul3A : i32
    %add3A = arith.addi %mul3A_0, %arg0 : i32
    %mul3A_1 = arith.constant 2048 : i32
    %mul3A_2 = arith.muli %add3A, %mul3A_1 : i32
    %dma_start3A = tpu.memref_slice %arg3[%mul3A_2] : memref<65536xi32, #tpu.memory_space<hbm>> -> memref<128xi32, #tpu.memory_space<hbm>>
    %dma_start3A_3 = tpu.memref_slice %arg3[%mul3A_2] : memref<65536xi32, #tpu.memory_space<hbm>> -> memref<128xi32, #tpu.memory_space<hbm>>
    tpu.enqueue_dma source(%dma_start3A_3 : memref<128xi32, #tpu.memory_space<hbm>>) target(%arg8 : memref<128xi32, #tpu.memory_space<vmem>>) target_semaphore(%arg11 : memref<!tpu.dma_semaphore, #tpu.memory_space<semaphore_mem>>)
    %dma_start3A_4 = arith.constant 0 : i32
    %dma_start3A_5 = tpu.memref_slice %arg2[%mul3A_2, %dma_start3A_4] : memref<65536x128xf32, #tpu.memory_space<hbm>> -> memref<128x128xf32, #tpu.memory_space<hbm>>
    %dma_start3A_6 = arith.constant 0 : i32
    %dma_start3A_7 = tpu.memref_slice %arg2[%mul3A_2, %dma_start3A_6] : memref<65536x128xf32, #tpu.memory_space<hbm>> -> memref<128x128xf32, #tpu.memory_space<hbm>>
    tpu.enqueue_dma source(%dma_start3A_7 : memref<128x128xf32, #tpu.memory_space<hbm>>) target(%arg6 : memref<128x128xf32, #tpu.memory_space<vmem>>) target_semaphore(%arg11 : memref<!tpu.dma_semaphore, #tpu.memory_space<semaphore_mem>>)
    %mul3A_8 = arith.constant 32 : i32
    %mul3A_9 = arith.muli %arg1, %mul3A_8 : i32
    %mul3A_10 = arith.constant 32 : i32
    %mul3A_11 = arith.muli %arg1, %mul3A_10 : i32
    "tpu.region"() ({
      %run_scoped3A = tpu.sem_alloc : memref<!tpu.dma_semaphore, #tpu.memory_space<semaphore_mem>>
      %dma_start3A_232 = arith.constant 0 : i32
      %dma_start3A_233 = tpu.memref_slice %arg10[%mul3A_11, %dma_start3A_232] : memref<512x128xf32, #tpu.memory_space<vmem_shared>> -> memref<32x128xf32, #tpu.memory_space<vmem_shared>>
      %dma_start3A_234 = arith.constant 0 : i32
      %dma_start3A_235 = tpu.memref_slice %arg4[%mul3A_9, %dma_start3A_234] : memref<512x128xf32, #tpu.memory_space<hbm>> -> memref<32x128xf32, #tpu.memory_space<hbm>>
      tpu.enqueue_dma source(%dma_start3A_235 : memref<32x128xf32, #tpu.memory_space<hbm>>) target(%dma_start3A_233 : memref<32x128xf32, #tpu.memory_space<vmem_shared>>) target_semaphore(%run_scoped3A : memref<!tpu.dma_semaphore, #tpu.memory_space<semaphore_mem>>)
      %dma_wait3A_236 = arith.constant 0 : i32
      %dma_wait3A_237 = tpu.memref_slice %arg10[%mul3A_11, %dma_wait3A_236] : memref<512x128xf32, #tpu.memory_space<vmem_shared>> -> memref<32x128xf32, #tpu.memory_space<vmem_shared>>
      %dma_wait3A_238 = arith.constant 0 : i32
      %dma_wait3A_239 = tpu.memref_slice %arg4[%mul3A_9, %dma_wait3A_238] : memref<512x128xf32, #tpu.memory_space<hbm>> -> memref<32x128xf32, #tpu.memory_space<hbm>>
      tpu.wait_dma2 semaphore(%run_scoped3A : memref<!tpu.dma_semaphore, #tpu.memory_space<semaphore_mem>>) src(%dma_wait3A_239 : memref<32x128xf32, #tpu.memory_space<hbm>>) dst(%dma_wait3A_237 : memref<32x128xf32, #tpu.memory_space<vmem_shared>>)
      tpu.yield
    }) : () -> ()
    %barrier3A = arith.constant 0 : index
    tpu.barrier barrier_id(%barrier3A)
    %add3A_12 = arith.constant 128 : i32
    %add3A_13 = arith.addi %mul3A_2, %add3A_12 : i32
    %dma_start3A_14 = tpu.memref_slice %arg3[%add3A_13] : memref<65536xi32, #tpu.memory_space<hbm>> -> memref<128xi32, #tpu.memory_space<hbm>>
    %dma_start3A_15 = tpu.memref_slice %arg3[%add3A_13] : memref<65536xi32, #tpu.memory_space<hbm>> -> memref<128xi32, #tpu.memory_space<hbm>>
    tpu.enqueue_dma source(%dma_start3A_15 : memref<128xi32, #tpu.memory_space<hbm>>) target(%arg9 : memref<128xi32, #tpu.memory_space<vmem>>) target_semaphore(%arg12 : memref<!tpu.dma_semaphore, #tpu.memory_space<semaphore_mem>>)
    %dma_start3A_16 = arith.constant 0 : i32
    %dma_start3A_17 = tpu.memref_slice %arg2[%add3A_13, %dma_start3A_16] : memref<65536x128xf32, #tpu.memory_space<hbm>> -> memref<128x128xf32, #tpu.memory_space<hbm>>
    %dma_start3A_18 = arith.constant 0 : i32
    %dma_start3A_19 = tpu.memref_slice %arg2[%add3A_13, %dma_start3A_18] : memref<65536x128xf32, #tpu.memory_space<hbm>> -> memref<128x128xf32, #tpu.memory_space<hbm>>
    tpu.enqueue_dma source(%dma_start3A_19 : memref<128x128xf32, #tpu.memory_space<hbm>>) target(%arg7 : memref<128x128xf32, #tpu.memory_space<vmem>>) target_semaphore(%arg12 : memref<!tpu.dma_semaphore, #tpu.memory_space<semaphore_mem>>)
    %dma_wait3A = tpu.memref_slice %arg3[%mul3A_2] : memref<65536xi32, #tpu.memory_space<hbm>> -> memref<128xi32, #tpu.memory_space<hbm>>
    %dma_wait3A_20 = tpu.memref_slice %arg3[%mul3A_2] : memref<65536xi32, #tpu.memory_space<hbm>> -> memref<128xi32, #tpu.memory_space<hbm>>
    tpu.wait_dma2 semaphore(%arg11 : memref<!tpu.dma_semaphore, #tpu.memory_space<semaphore_mem>>) src(%dma_wait3A_20 : memref<128xi32, #tpu.memory_space<hbm>>) dst(%arg8 : memref<128xi32, #tpu.memory_space<vmem>>)
    %dma_wait3A_21 = arith.constant 0 : i32
    %dma_wait3A_22 = tpu.memref_slice %arg2[%mul3A_2, %dma_wait3A_21] : memref<65536x128xf32, #tpu.memory_space<hbm>> -> memref<128x128xf32, #tpu.memory_space<hbm>>
    %dma_wait3A_23 = arith.constant 0 : i32
    %dma_wait3A_24 = tpu.memref_slice %arg2[%mul3A_2, %dma_wait3A_23] : memref<65536x128xf32, #tpu.memory_space<hbm>> -> memref<128x128xf32, #tpu.memory_space<hbm>>
    tpu.wait_dma2 semaphore(%arg11 : memref<!tpu.dma_semaphore, #tpu.memory_space<semaphore_mem>>) src(%dma_wait3A_24 : memref<128x128xf32, #tpu.memory_space<hbm>>) dst(%arg6 : memref<128x128xf32, #tpu.memory_space<vmem>>)
    "tpu.region"() ({
      %run_scoped3A = tpu.sem_alloc : memref<!tpu.dma_semaphore, #tpu.memory_space<semaphore_mem>>
      %dma_start3A_232 = arith.constant 0 : i32
      %dma_start3A_233 = arith.constant 0 : i32
      %dma_start3A_234 = tpu.memref_slice %arg10[%dma_start3A_232, %dma_start3A_233] : memref<512x128xf32, #tpu.memory_space<vmem_shared>> -> memref<512x128xf32, #tpu.memory_space<vmem_shared>>
      tpu.enqueue_indirect_dma source(%arg6 : memref<128x128xf32, #tpu.memory_space<vmem>>) target(%dma_start3A_234 : memref<512x128xf32, #tpu.memory_space<vmem_shared>>) offsets(%arg8 : memref<128xi32, #tpu.memory_space<vmem>>) semaphore(%run_scoped3A : memref<!tpu.dma_semaphore, #tpu.memory_space<semaphore_mem>>) {add = true}
      %dma_wait3A_235 = arith.constant 0 : i32
      %dma_wait3A_236 = arith.constant 0 : i32
      %dma_wait3A_237 = tpu.memref_slice %arg10[%dma_wait3A_235, %dma_wait3A_236] : memref<512x128xf32, #tpu.memory_space<vmem_shared>> -> memref<512x128xf32, #tpu.memory_space<vmem_shared>>
      tpu.wait_indirect_dma semaphore(%run_scoped3A : memref<!tpu.dma_semaphore, #tpu.memory_space<semaphore_mem>>) src(%arg6 : memref<128x128xf32, #tpu.memory_space<vmem>>) dst(%dma_wait3A_237 : memref<512x128xf32, #tpu.memory_space<vmem_shared>>)
      tpu.yield
    }) : () -> ()
    %add3A_25 = arith.constant 256 : i32
    %add3A_26 = arith.addi %mul3A_2, %add3A_25 : i32
    %dma_start3A_27 = tpu.memref_slice %arg3[%add3A_26] : memref<65536xi32, #tpu.memory_space<hbm>> -> memref<128xi32, #tpu.memory_space<hbm>>
    %dma_start3A_28 = tpu.memref_slice %arg3[%add3A_26] : memref<65536xi32, #tpu.memory_space<hbm>> -> memref<128xi32, #tpu.memory_space<hbm>>
    tpu.enqueue_dma source(%dma_start3A_28 : memref<128xi32, #tpu.memory_space<hbm>>) target(%arg8 : memref<128xi32, #tpu.memory_space<vmem>>) target_semaphore(%arg11 : memref<!tpu.dma_semaphore, #tpu.memory_space<semaphore_mem>>)
    %dma_start3A_29 = arith.constant 0 : i32
    %dma_start3A_30 = tpu.memref_slice %arg2[%add3A_26, %dma_start3A_29] : memref<65536x128xf32, #tpu.memory_space<hbm>> -> memref<128x128xf32, #tpu.memory_space<hbm>>
    %dma_start3A_31 = arith.constant 0 : i32
    %dma_start3A_32 = tpu.memref_slice %arg2[%add3A_26, %dma_start3A_31] : memref<65536x128xf32, #tpu.memory_space<hbm>> -> memref<128x128xf32, #tpu.memory_space<hbm>>
    tpu.enqueue_dma source(%dma_start3A_32 : memref<128x128xf32, #tpu.memory_space<hbm>>) target(%arg6 : memref<128x128xf32, #tpu.memory_space<vmem>>) target_semaphore(%arg11 : memref<!tpu.dma_semaphore, #tpu.memory_space<semaphore_mem>>)
    %dma_wait3A_33 = tpu.memref_slice %arg3[%add3A_13] : memref<65536xi32, #tpu.memory_space<hbm>> -> memref<128xi32, #tpu.memory_space<hbm>>
    %dma_wait3A_34 = tpu.memref_slice %arg3[%add3A_13] : memref<65536xi32, #tpu.memory_space<hbm>> -> memref<128xi32, #tpu.memory_space<hbm>>
    tpu.wait_dma2 semaphore(%arg12 : memref<!tpu.dma_semaphore, #tpu.memory_space<semaphore_mem>>) src(%dma_wait3A_34 : memref<128xi32, #tpu.memory_space<hbm>>) dst(%arg9 : memref<128xi32, #tpu.memory_space<vmem>>)
    %dma_wait3A_35 = arith.constant 0 : i32
    %dma_wait3A_36 = tpu.memref_slice %arg2[%add3A_13, %dma_wait3A_35] : memref<65536x128xf32, #tpu.memory_space<hbm>> -> memref<128x128xf32, #tpu.memory_space<hbm>>
    %dma_wait3A_37 = arith.constant 0 : i32
    %dma_wait3A_38 = tpu.memref_slice %arg2[%add3A_13, %dma_wait3A_37] : memref<65536x128xf32, #tpu.memory_space<hbm>> -> memref<128x128xf32, #tpu.memory_space<hbm>>
    tpu.wait_dma2 semaphore(%arg12 : memref<!tpu.dma_semaphore, #tpu.memory_space<semaphore_mem>>) src(%dma_wait3A_38 : memref<128x128xf32, #tpu.memory_space<hbm>>) dst(%arg7 : memref<128x128xf32, #tpu.memory_space<vmem>>)
    "tpu.region"() ({
      %run_scoped3A = tpu.sem_alloc : memref<!tpu.dma_semaphore, #tpu.memory_space<semaphore_mem>>
      %dma_start3A_232 = arith.constant 0 : i32
      %dma_start3A_233 = arith.constant 0 : i32
      %dma_start3A_234 = tpu.memref_slice %arg10[%dma_start3A_232, %dma_start3A_233] : memref<512x128xf32, #tpu.memory_space<vmem_shared>> -> memref<512x128xf32, #tpu.memory_space<vmem_shared>>
      tpu.enqueue_indirect_dma source(%arg7 : memref<128x128xf32, #tpu.memory_space<vmem>>) target(%dma_start3A_234 : memref<512x128xf32, #tpu.memory_space<vmem_shared>>) offsets(%arg9 : memref<128xi32, #tpu.memory_space<vmem>>) semaphore(%run_scoped3A : memref<!tpu.dma_semaphore, #tpu.memory_space<semaphore_mem>>) {add = true}
      %dma_wait3A_235 = arith.constant 0 : i32
      %dma_wait3A_236 = arith.constant 0 : i32
      %dma_wait3A_237 = tpu.memref_slice %arg10[%dma_wait3A_235, %dma_wait3A_236] : memref<512x128xf32, #tpu.memory_space<vmem_shared>> -> memref<512x128xf32, #tpu.memory_space<vmem_shared>>
      tpu.wait_indirect_dma semaphore(%run_scoped3A : memref<!tpu.dma_semaphore, #tpu.memory_space<semaphore_mem>>) src(%arg7 : memref<128x128xf32, #tpu.memory_space<vmem>>) dst(%dma_wait3A_237 : memref<512x128xf32, #tpu.memory_space<vmem_shared>>)
      tpu.yield
    }) : () -> ()
    %add3A_39 = arith.constant 384 : i32
    %add3A_40 = arith.addi %mul3A_2, %add3A_39 : i32
    %dma_start3A_41 = tpu.memref_slice %arg3[%add3A_40] : memref<65536xi32, #tpu.memory_space<hbm>> -> memref<128xi32, #tpu.memory_space<hbm>>
    %dma_start3A_42 = tpu.memref_slice %arg3[%add3A_40] : memref<65536xi32, #tpu.memory_space<hbm>> -> memref<128xi32, #tpu.memory_space<hbm>>
    tpu.enqueue_dma source(%dma_start3A_42 : memref<128xi32, #tpu.memory_space<hbm>>) target(%arg9 : memref<128xi32, #tpu.memory_space<vmem>>) target_semaphore(%arg12 : memref<!tpu.dma_semaphore, #tpu.memory_space<semaphore_mem>>)
    %dma_start3A_43 = arith.constant 0 : i32
    %dma_start3A_44 = tpu.memref_slice %arg2[%add3A_40, %dma_start3A_43] : memref<65536x128xf32, #tpu.memory_space<hbm>> -> memref<128x128xf32, #tpu.memory_space<hbm>>
    %dma_start3A_45 = arith.constant 0 : i32
    %dma_start3A_46 = tpu.memref_slice %arg2[%add3A_40, %dma_start3A_45] : memref<65536x128xf32, #tpu.memory_space<hbm>> -> memref<128x128xf32, #tpu.memory_space<hbm>>
    tpu.enqueue_dma source(%dma_start3A_46 : memref<128x128xf32, #tpu.memory_space<hbm>>) target(%arg7 : memref<128x128xf32, #tpu.memory_space<vmem>>) target_semaphore(%arg12 : memref<!tpu.dma_semaphore, #tpu.memory_space<semaphore_mem>>)
    %dma_wait3A_47 = tpu.memref_slice %arg3[%add3A_26] : memref<65536xi32, #tpu.memory_space<hbm>> -> memref<128xi32, #tpu.memory_space<hbm>>
    %dma_wait3A_48 = tpu.memref_slice %arg3[%add3A_26] : memref<65536xi32, #tpu.memory_space<hbm>> -> memref<128xi32, #tpu.memory_space<hbm>>
    tpu.wait_dma2 semaphore(%arg11 : memref<!tpu.dma_semaphore, #tpu.memory_space<semaphore_mem>>) src(%dma_wait3A_48 : memref<128xi32, #tpu.memory_space<hbm>>) dst(%arg8 : memref<128xi32, #tpu.memory_space<vmem>>)
    %dma_wait3A_49 = arith.constant 0 : i32
    %dma_wait3A_50 = tpu.memref_slice %arg2[%add3A_26, %dma_wait3A_49] : memref<65536x128xf32, #tpu.memory_space<hbm>> -> memref<128x128xf32, #tpu.memory_space<hbm>>
    %dma_wait3A_51 = arith.constant 0 : i32
    %dma_wait3A_52 = tpu.memref_slice %arg2[%add3A_26, %dma_wait3A_51] : memref<65536x128xf32, #tpu.memory_space<hbm>> -> memref<128x128xf32, #tpu.memory_space<hbm>>
    tpu.wait_dma2 semaphore(%arg11 : memref<!tpu.dma_semaphore, #tpu.memory_space<semaphore_mem>>) src(%dma_wait3A_52 : memref<128x128xf32, #tpu.memory_space<hbm>>) dst(%arg6 : memref<128x128xf32, #tpu.memory_space<vmem>>)
    "tpu.region"() ({
      %run_scoped3A = tpu.sem_alloc : memref<!tpu.dma_semaphore, #tpu.memory_space<semaphore_mem>>
      %dma_start3A_232 = arith.constant 0 : i32
      %dma_start3A_233 = arith.constant 0 : i32
      %dma_start3A_234 = tpu.memref_slice %arg10[%dma_start3A_232, %dma_start3A_233] : memref<512x128xf32, #tpu.memory_space<vmem_shared>> -> memref<512x128xf32, #tpu.memory_space<vmem_shared>>
      tpu.enqueue_indirect_dma source(%arg6 : memref<128x128xf32, #tpu.memory_space<vmem>>) target(%dma_start3A_234 : memref<512x128xf32, #tpu.memory_space<vmem_shared>>) offsets(%arg8 : memref<128xi32, #tpu.memory_space<vmem>>) semaphore(%run_scoped3A : memref<!tpu.dma_semaphore, #tpu.memory_space<semaphore_mem>>) {add = true}
      %dma_wait3A_235 = arith.constant 0 : i32
      %dma_wait3A_236 = arith.constant 0 : i32
      %dma_wait3A_237 = tpu.memref_slice %arg10[%dma_wait3A_235, %dma_wait3A_236] : memref<512x128xf32, #tpu.memory_space<vmem_shared>> -> memref<512x128xf32, #tpu.memory_space<vmem_shared>>
      tpu.wait_indirect_dma semaphore(%run_scoped3A : memref<!tpu.dma_semaphore, #tpu.memory_space<semaphore_mem>>) src(%arg6 : memref<128x128xf32, #tpu.memory_space<vmem>>) dst(%dma_wait3A_237 : memref<512x128xf32, #tpu.memory_space<vmem_shared>>)
      tpu.yield
    }) : () -> ()
    %add3A_53 = arith.constant 512 : i32
    %add3A_54 = arith.addi %mul3A_2, %add3A_53 : i32
    %dma_start3A_55 = tpu.memref_slice %arg3[%add3A_54] : memref<65536xi32, #tpu.memory_space<hbm>> -> memref<128xi32, #tpu.memory_space<hbm>>
    %dma_start3A_56 = tpu.memref_slice %arg3[%add3A_54] : memref<65536xi32, #tpu.memory_space<hbm>> -> memref<128xi32, #tpu.memory_space<hbm>>
    tpu.enqueue_dma source(%dma_start3A_56 : memref<128xi32, #tpu.memory_space<hbm>>) target(%arg8 : memref<128xi32, #tpu.memory_space<vmem>>) target_semaphore(%arg11 : memref<!tpu.dma_semaphore, #tpu.memory_space<semaphore_mem>>)
    %dma_start3A_57 = arith.constant 0 : i32
    %dma_start3A_58 = tpu.memref_slice %arg2[%add3A_54, %dma_start3A_57] : memref<65536x128xf32, #tpu.memory_space<hbm>> -> memref<128x128xf32, #tpu.memory_space<hbm>>
    %dma_start3A_59 = arith.constant 0 : i32
    %dma_start3A_60 = tpu.memref_slice %arg2[%add3A_54, %dma_start3A_59] : memref<65536x128xf32, #tpu.memory_space<hbm>> -> memref<128x128xf32, #tpu.memory_space<hbm>>
    tpu.enqueue_dma source(%dma_start3A_60 : memref<128x128xf32, #tpu.memory_space<hbm>>) target(%arg6 : memref<128x128xf32, #tpu.memory_space<vmem>>) target_semaphore(%arg11 : memref<!tpu.dma_semaphore, #tpu.memory_space<semaphore_mem>>)
    %dma_wait3A_61 = tpu.memref_slice %arg3[%add3A_40] : memref<65536xi32, #tpu.memory_space<hbm>> -> memref<128xi32, #tpu.memory_space<hbm>>
    %dma_wait3A_62 = tpu.memref_slice %arg3[%add3A_40] : memref<65536xi32, #tpu.memory_space<hbm>> -> memref<128xi32, #tpu.memory_space<hbm>>
    tpu.wait_dma2 semaphore(%arg12 : memref<!tpu.dma_semaphore, #tpu.memory_space<semaphore_mem>>) src(%dma_wait3A_62 : memref<128xi32, #tpu.memory_space<hbm>>) dst(%arg9 : memref<128xi32, #tpu.memory_space<vmem>>)
    %dma_wait3A_63 = arith.constant 0 : i32
    %dma_wait3A_64 = tpu.memref_slice %arg2[%add3A_40, %dma_wait3A_63] : memref<65536x128xf32, #tpu.memory_space<hbm>> -> memref<128x128xf32, #tpu.memory_space<hbm>>
    %dma_wait3A_65 = arith.constant 0 : i32
    %dma_wait3A_66 = tpu.memref_slice %arg2[%add3A_40, %dma_wait3A_65] : memref<65536x128xf32, #tpu.memory_space<hbm>> -> memref<128x128xf32, #tpu.memory_space<hbm>>
    tpu.wait_dma2 semaphore(%arg12 : memref<!tpu.dma_semaphore, #tpu.memory_space<semaphore_mem>>) src(%dma_wait3A_66 : memref<128x128xf32, #tpu.memory_space<hbm>>) dst(%arg7 : memref<128x128xf32, #tpu.memory_space<vmem>>)
    "tpu.region"() ({
      %run_scoped3A = tpu.sem_alloc : memref<!tpu.dma_semaphore, #tpu.memory_space<semaphore_mem>>
      %dma_start3A_232 = arith.constant 0 : i32
      %dma_start3A_233 = arith.constant 0 : i32
      %dma_start3A_234 = tpu.memref_slice %arg10[%dma_start3A_232, %dma_start3A_233] : memref<512x128xf32, #tpu.memory_space<vmem_shared>> -> memref<512x128xf32, #tpu.memory_space<vmem_shared>>
      tpu.enqueue_indirect_dma source(%arg7 : memref<128x128xf32, #tpu.memory_space<vmem>>) target(%dma_start3A_234 : memref<512x128xf32, #tpu.memory_space<vmem_shared>>) offsets(%arg9 : memref<128xi32, #tpu.memory_space<vmem>>) semaphore(%run_scoped3A : memref<!tpu.dma_semaphore, #tpu.memory_space<semaphore_mem>>) {add = true}
      %dma_wait3A_235 = arith.constant 0 : i32
      %dma_wait3A_236 = arith.constant 0 : i32
      %dma_wait3A_237 = tpu.memref_slice %arg10[%dma_wait3A_235, %dma_wait3A_236] : memref<512x128xf32, #tpu.memory_space<vmem_shared>> -> memref<512x128xf32, #tpu.memory_space<vmem_shared>>
      tpu.wait_indirect_dma semaphore(%run_scoped3A : memref<!tpu.dma_semaphore, #tpu.memory_space<semaphore_mem>>) src(%arg7 : memref<128x128xf32, #tpu.memory_space<vmem>>) dst(%dma_wait3A_237 : memref<512x128xf32, #tpu.memory_space<vmem_shared>>)
      tpu.yield
    }) : () -> ()
    %add3A_67 = arith.constant 640 : i32
    %add3A_68 = arith.addi %mul3A_2, %add3A_67 : i32
    %dma_start3A_69 = tpu.memref_slice %arg3[%add3A_68] : memref<65536xi32, #tpu.memory_space<hbm>> -> memref<128xi32, #tpu.memory_space<hbm>>
    %dma_start3A_70 = tpu.memref_slice %arg3[%add3A_68] : memref<65536xi32, #tpu.memory_space<hbm>> -> memref<128xi32, #tpu.memory_space<hbm>>
    tpu.enqueue_dma source(%dma_start3A_70 : memref<128xi32, #tpu.memory_space<hbm>>) target(%arg9 : memref<128xi32, #tpu.memory_space<vmem>>) target_semaphore(%arg12 : memref<!tpu.dma_semaphore, #tpu.memory_space<semaphore_mem>>)
    %dma_start3A_71 = arith.constant 0 : i32
    %dma_start3A_72 = tpu.memref_slice %arg2[%add3A_68, %dma_start3A_71] : memref<65536x128xf32, #tpu.memory_space<hbm>> -> memref<128x128xf32, #tpu.memory_space<hbm>>
    %dma_start3A_73 = arith.constant 0 : i32
    %dma_start3A_74 = tpu.memref_slice %arg2[%add3A_68, %dma_start3A_73] : memref<65536x128xf32, #tpu.memory_space<hbm>> -> memref<128x128xf32, #tpu.memory_space<hbm>>
    tpu.enqueue_dma source(%dma_start3A_74 : memref<128x128xf32, #tpu.memory_space<hbm>>) target(%arg7 : memref<128x128xf32, #tpu.memory_space<vmem>>) target_semaphore(%arg12 : memref<!tpu.dma_semaphore, #tpu.memory_space<semaphore_mem>>)
    %dma_wait3A_75 = tpu.memref_slice %arg3[%add3A_54] : memref<65536xi32, #tpu.memory_space<hbm>> -> memref<128xi32, #tpu.memory_space<hbm>>
    %dma_wait3A_76 = tpu.memref_slice %arg3[%add3A_54] : memref<65536xi32, #tpu.memory_space<hbm>> -> memref<128xi32, #tpu.memory_space<hbm>>
    tpu.wait_dma2 semaphore(%arg11 : memref<!tpu.dma_semaphore, #tpu.memory_space<semaphore_mem>>) src(%dma_wait3A_76 : memref<128xi32, #tpu.memory_space<hbm>>) dst(%arg8 : memref<128xi32, #tpu.memory_space<vmem>>)
    %dma_wait3A_77 = arith.constant 0 : i32
    %dma_wait3A_78 = tpu.memref_slice %arg2[%add3A_54, %dma_wait3A_77] : memref<65536x128xf32, #tpu.memory_space<hbm>> -> memref<128x128xf32, #tpu.memory_space<hbm>>
    %dma_wait3A_79 = arith.constant 0 : i32
    %dma_wait3A_80 = tpu.memref_slice %arg2[%add3A_54, %dma_wait3A_79] : memref<65536x128xf32, #tpu.memory_space<hbm>> -> memref<128x128xf32, #tpu.memory_space<hbm>>
    tpu.wait_dma2 semaphore(%arg11 : memref<!tpu.dma_semaphore, #tpu.memory_space<semaphore_mem>>) src(%dma_wait3A_80 : memref<128x128xf32, #tpu.memory_space<hbm>>) dst(%arg6 : memref<128x128xf32, #tpu.memory_space<vmem>>)
    "tpu.region"() ({
      %run_scoped3A = tpu.sem_alloc : memref<!tpu.dma_semaphore, #tpu.memory_space<semaphore_mem>>
      %dma_start3A_232 = arith.constant 0 : i32
      %dma_start3A_233 = arith.constant 0 : i32
      %dma_start3A_234 = tpu.memref_slice %arg10[%dma_start3A_232, %dma_start3A_233] : memref<512x128xf32, #tpu.memory_space<vmem_shared>> -> memref<512x128xf32, #tpu.memory_space<vmem_shared>>
      tpu.enqueue_indirect_dma source(%arg6 : memref<128x128xf32, #tpu.memory_space<vmem>>) target(%dma_start3A_234 : memref<512x128xf32, #tpu.memory_space<vmem_shared>>) offsets(%arg8 : memref<128xi32, #tpu.memory_space<vmem>>) semaphore(%run_scoped3A : memref<!tpu.dma_semaphore, #tpu.memory_space<semaphore_mem>>) {add = true}
      %dma_wait3A_235 = arith.constant 0 : i32
      %dma_wait3A_236 = arith.constant 0 : i32
      %dma_wait3A_237 = tpu.memref_slice %arg10[%dma_wait3A_235, %dma_wait3A_236] : memref<512x128xf32, #tpu.memory_space<vmem_shared>> -> memref<512x128xf32, #tpu.memory_space<vmem_shared>>
      tpu.wait_indirect_dma semaphore(%run_scoped3A : memref<!tpu.dma_semaphore, #tpu.memory_space<semaphore_mem>>) src(%arg6 : memref<128x128xf32, #tpu.memory_space<vmem>>) dst(%dma_wait3A_237 : memref<512x128xf32, #tpu.memory_space<vmem_shared>>)
      tpu.yield
    }) : () -> ()
    %add3A_81 = arith.constant 768 : i32
    %add3A_82 = arith.addi %mul3A_2, %add3A_81 : i32
    %dma_start3A_83 = tpu.memref_slice %arg3[%add3A_82] : memref<65536xi32, #tpu.memory_space<hbm>> -> memref<128xi32, #tpu.memory_space<hbm>>
    %dma_start3A_84 = tpu.memref_slice %arg3[%add3A_82] : memref<65536xi32, #tpu.memory_space<hbm>> -> memref<128xi32, #tpu.memory_space<hbm>>
    tpu.enqueue_dma source(%dma_start3A_84 : memref<128xi32, #tpu.memory_space<hbm>>) target(%arg8 : memref<128xi32, #tpu.memory_space<vmem>>) target_semaphore(%arg11 : memref<!tpu.dma_semaphore, #tpu.memory_space<semaphore_mem>>)
    %dma_start3A_85 = arith.constant 0 : i32
    %dma_start3A_86 = tpu.memref_slice %arg2[%add3A_82, %dma_start3A_85] : memref<65536x128xf32, #tpu.memory_space<hbm>> -> memref<128x128xf32, #tpu.memory_space<hbm>>
    %dma_start3A_87 = arith.constant 0 : i32
    %dma_start3A_88 = tpu.memref_slice %arg2[%add3A_82, %dma_start3A_87] : memref<65536x128xf32, #tpu.memory_space<hbm>> -> memref<128x128xf32, #tpu.memory_space<hbm>>
    tpu.enqueue_dma source(%dma_start3A_88 : memref<128x128xf32, #tpu.memory_space<hbm>>) target(%arg6 : memref<128x128xf32, #tpu.memory_space<vmem>>) target_semaphore(%arg11 : memref<!tpu.dma_semaphore, #tpu.memory_space<semaphore_mem>>)
    %dma_wait3A_89 = tpu.memref_slice %arg3[%add3A_68] : memref<65536xi32, #tpu.memory_space<hbm>> -> memref<128xi32, #tpu.memory_space<hbm>>
    %dma_wait3A_90 = tpu.memref_slice %arg3[%add3A_68] : memref<65536xi32, #tpu.memory_space<hbm>> -> memref<128xi32, #tpu.memory_space<hbm>>
    tpu.wait_dma2 semaphore(%arg12 : memref<!tpu.dma_semaphore, #tpu.memory_space<semaphore_mem>>) src(%dma_wait3A_90 : memref<128xi32, #tpu.memory_space<hbm>>) dst(%arg9 : memref<128xi32, #tpu.memory_space<vmem>>)
    %dma_wait3A_91 = arith.constant 0 : i32
    %dma_wait3A_92 = tpu.memref_slice %arg2[%add3A_68, %dma_wait3A_91] : memref<65536x128xf32, #tpu.memory_space<hbm>> -> memref<128x128xf32, #tpu.memory_space<hbm>>
    %dma_wait3A_93 = arith.constant 0 : i32
    %dma_wait3A_94 = tpu.memref_slice %arg2[%add3A_68, %dma_wait3A_93] : memref<65536x128xf32, #tpu.memory_space<hbm>> -> memref<128x128xf32, #tpu.memory_space<hbm>>
    tpu.wait_dma2 semaphore(%arg12 : memref<!tpu.dma_semaphore, #tpu.memory_space<semaphore_mem>>) src(%dma_wait3A_94 : memref<128x128xf32, #tpu.memory_space<hbm>>) dst(%arg7 : memref<128x128xf32, #tpu.memory_space<vmem>>)
    "tpu.region"() ({
      %run_scoped3A = tpu.sem_alloc : memref<!tpu.dma_semaphore, #tpu.memory_space<semaphore_mem>>
      %dma_start3A_232 = arith.constant 0 : i32
      %dma_start3A_233 = arith.constant 0 : i32
      %dma_start3A_234 = tpu.memref_slice %arg10[%dma_start3A_232, %dma_start3A_233] : memref<512x128xf32, #tpu.memory_space<vmem_shared>> -> memref<512x128xf32, #tpu.memory_space<vmem_shared>>
      tpu.enqueue_indirect_dma source(%arg7 : memref<128x128xf32, #tpu.memory_space<vmem>>) target(%dma_start3A_234 : memref<512x128xf32, #tpu.memory_space<vmem_shared>>) offsets(%arg9 : memref<128xi32, #tpu.memory_space<vmem>>) semaphore(%run_scoped3A : memref<!tpu.dma_semaphore, #tpu.memory_space<semaphore_mem>>) {add = true}
      %dma_wait3A_235 = arith.constant 0 : i32
      %dma_wait3A_236 = arith.constant 0 : i32
      %dma_wait3A_237 = tpu.memref_slice %arg10[%dma_wait3A_235, %dma_wait3A_236] : memref<512x128xf32, #tpu.memory_space<vmem_shared>> -> memref<512x128xf32, #tpu.memory_space<vmem_shared>>
      tpu.wait_indirect_dma semaphore(%run_scoped3A : memref<!tpu.dma_semaphore, #tpu.memory_space<semaphore_mem>>) src(%arg7 : memref<128x128xf32, #tpu.memory_space<vmem>>) dst(%dma_wait3A_237 : memref<512x128xf32, #tpu.memory_space<vmem_shared>>)
      tpu.yield
    }) : () -> ()
    %add3A_95 = arith.constant 896 : i32
    %add3A_96 = arith.addi %mul3A_2, %add3A_95 : i32
    %dma_start3A_97 = tpu.memref_slice %arg3[%add3A_96] : memref<65536xi32, #tpu.memory_space<hbm>> -> memref<128xi32, #tpu.memory_space<hbm>>
    %dma_start3A_98 = tpu.memref_slice %arg3[%add3A_96] : memref<65536xi32, #tpu.memory_space<hbm>> -> memref<128xi32, #tpu.memory_space<hbm>>
    tpu.enqueue_dma source(%dma_start3A_98 : memref<128xi32, #tpu.memory_space<hbm>>) target(%arg9 : memref<128xi32, #tpu.memory_space<vmem>>) target_semaphore(%arg12 : memref<!tpu.dma_semaphore, #tpu.memory_space<semaphore_mem>>)
    %dma_start3A_99 = arith.constant 0 : i32
    %dma_start3A_100 = tpu.memref_slice %arg2[%add3A_96, %dma_start3A_99] : memref<65536x128xf32, #tpu.memory_space<hbm>> -> memref<128x128xf32, #tpu.memory_space<hbm>>
    %dma_start3A_101 = arith.constant 0 : i32
    %dma_start3A_102 = tpu.memref_slice %arg2[%add3A_96, %dma_start3A_101] : memref<65536x128xf32, #tpu.memory_space<hbm>> -> memref<128x128xf32, #tpu.memory_space<hbm>>
    tpu.enqueue_dma source(%dma_start3A_102 : memref<128x128xf32, #tpu.memory_space<hbm>>) target(%arg7 : memref<128x128xf32, #tpu.memory_space<vmem>>) target_semaphore(%arg12 : memref<!tpu.dma_semaphore, #tpu.memory_space<semaphore_mem>>)
    %dma_wait3A_103 = tpu.memref_slice %arg3[%add3A_82] : memref<65536xi32, #tpu.memory_space<hbm>> -> memref<128xi32, #tpu.memory_space<hbm>>
    %dma_wait3A_104 = tpu.memref_slice %arg3[%add3A_82] : memref<65536xi32, #tpu.memory_space<hbm>> -> memref<128xi32, #tpu.memory_space<hbm>>
    tpu.wait_dma2 semaphore(%arg11 : memref<!tpu.dma_semaphore, #tpu.memory_space<semaphore_mem>>) src(%dma_wait3A_104 : memref<128xi32, #tpu.memory_space<hbm>>) dst(%arg8 : memref<128xi32, #tpu.memory_space<vmem>>)
    %dma_wait3A_105 = arith.constant 0 : i32
    %dma_wait3A_106 = tpu.memref_slice %arg2[%add3A_82, %dma_wait3A_105] : memref<65536x128xf32, #tpu.memory_space<hbm>> -> memref<128x128xf32, #tpu.memory_space<hbm>>
    %dma_wait3A_107 = arith.constant 0 : i32
    %dma_wait3A_108 = tpu.memref_slice %arg2[%add3A_82, %dma_wait3A_107] : memref<65536x128xf32, #tpu.memory_space<hbm>> -> memref<128x128xf32, #tpu.memory_space<hbm>>
    tpu.wait_dma2 semaphore(%arg11 : memref<!tpu.dma_semaphore, #tpu.memory_space<semaphore_mem>>) src(%dma_wait3A_108 : memref<128x128xf32, #tpu.memory_space<hbm>>) dst(%arg6 : memref<128x128xf32, #tpu.memory_space<vmem>>)
    "tpu.region"() ({
      %run_scoped3A = tpu.sem_alloc : memref<!tpu.dma_semaphore, #tpu.memory_space<semaphore_mem>>
      %dma_start3A_232 = arith.constant 0 : i32
      %dma_start3A_233 = arith.constant 0 : i32
      %dma_start3A_234 = tpu.memref_slice %arg10[%dma_start3A_232, %dma_start3A_233] : memref<512x128xf32, #tpu.memory_space<vmem_shared>> -> memref<512x128xf32, #tpu.memory_space<vmem_shared>>
      tpu.enqueue_indirect_dma source(%arg6 : memref<128x128xf32, #tpu.memory_space<vmem>>) target(%dma_start3A_234 : memref<512x128xf32, #tpu.memory_space<vmem_shared>>) offsets(%arg8 : memref<128xi32, #tpu.memory_space<vmem>>) semaphore(%run_scoped3A : memref<!tpu.dma_semaphore, #tpu.memory_space<semaphore_mem>>) {add = true}
      %dma_wait3A_235 = arith.constant 0 : i32
      %dma_wait3A_236 = arith.constant 0 : i32
      %dma_wait3A_237 = tpu.memref_slice %arg10[%dma_wait3A_235, %dma_wait3A_236] : memref<512x128xf32, #tpu.memory_space<vmem_shared>> -> memref<512x128xf32, #tpu.memory_space<vmem_shared>>
      tpu.wait_indirect_dma semaphore(%run_scoped3A : memref<!tpu.dma_semaphore, #tpu.memory_space<semaphore_mem>>) src(%arg6 : memref<128x128xf32, #tpu.memory_space<vmem>>) dst(%dma_wait3A_237 : memref<512x128xf32, #tpu.memory_space<vmem_shared>>)
      tpu.yield
    }) : () -> ()
    %add3A_109 = arith.constant 1024 : i32
    %add3A_110 = arith.addi %mul3A_2, %add3A_109 : i32
    %dma_start3A_111 = tpu.memref_slice %arg3[%add3A_110] : memref<65536xi32, #tpu.memory_space<hbm>> -> memref<128xi32, #tpu.memory_space<hbm>>
    %dma_start3A_112 = tpu.memref_slice %arg3[%add3A_110] : memref<65536xi32, #tpu.memory_space<hbm>> -> memref<128xi32, #tpu.memory_space<hbm>>
    tpu.enqueue_dma source(%dma_start3A_112 : memref<128xi32, #tpu.memory_space<hbm>>) target(%arg8 : memref<128xi32, #tpu.memory_space<vmem>>) target_semaphore(%arg11 : memref<!tpu.dma_semaphore, #tpu.memory_space<semaphore_mem>>)
    %dma_start3A_113 = arith.constant 0 : i32
    %dma_start3A_114 = tpu.memref_slice %arg2[%add3A_110, %dma_start3A_113] : memref<65536x128xf32, #tpu.memory_space<hbm>> -> memref<128x128xf32, #tpu.memory_space<hbm>>
    %dma_start3A_115 = arith.constant 0 : i32
    %dma_start3A_116 = tpu.memref_slice %arg2[%add3A_110, %dma_start3A_115] : memref<65536x128xf32, #tpu.memory_space<hbm>> -> memref<128x128xf32, #tpu.memory_space<hbm>>
    tpu.enqueue_dma source(%dma_start3A_116 : memref<128x128xf32, #tpu.memory_space<hbm>>) target(%arg6 : memref<128x128xf32, #tpu.memory_space<vmem>>) target_semaphore(%arg11 : memref<!tpu.dma_semaphore, #tpu.memory_space<semaphore_mem>>)
    %dma_wait3A_117 = tpu.memref_slice %arg3[%add3A_96] : memref<65536xi32, #tpu.memory_space<hbm>> -> memref<128xi32, #tpu.memory_space<hbm>>
    %dma_wait3A_118 = tpu.memref_slice %arg3[%add3A_96] : memref<65536xi32, #tpu.memory_space<hbm>> -> memref<128xi32, #tpu.memory_space<hbm>>
    tpu.wait_dma2 semaphore(%arg12 : memref<!tpu.dma_semaphore, #tpu.memory_space<semaphore_mem>>) src(%dma_wait3A_118 : memref<128xi32, #tpu.memory_space<hbm>>) dst(%arg9 : memref<128xi32, #tpu.memory_space<vmem>>)
    %dma_wait3A_119 = arith.constant 0 : i32
    %dma_wait3A_120 = tpu.memref_slice %arg2[%add3A_96, %dma_wait3A_119] : memref<65536x128xf32, #tpu.memory_space<hbm>> -> memref<128x128xf32, #tpu.memory_space<hbm>>
    %dma_wait3A_121 = arith.constant 0 : i32
    %dma_wait3A_122 = tpu.memref_slice %arg2[%add3A_96, %dma_wait3A_121] : memref<65536x128xf32, #tpu.memory_space<hbm>> -> memref<128x128xf32, #tpu.memory_space<hbm>>
    tpu.wait_dma2 semaphore(%arg12 : memref<!tpu.dma_semaphore, #tpu.memory_space<semaphore_mem>>) src(%dma_wait3A_122 : memref<128x128xf32, #tpu.memory_space<hbm>>) dst(%arg7 : memref<128x128xf32, #tpu.memory_space<vmem>>)
    "tpu.region"() ({
      %run_scoped3A = tpu.sem_alloc : memref<!tpu.dma_semaphore, #tpu.memory_space<semaphore_mem>>
      %dma_start3A_232 = arith.constant 0 : i32
      %dma_start3A_233 = arith.constant 0 : i32
      %dma_start3A_234 = tpu.memref_slice %arg10[%dma_start3A_232, %dma_start3A_233] : memref<512x128xf32, #tpu.memory_space<vmem_shared>> -> memref<512x128xf32, #tpu.memory_space<vmem_shared>>
      tpu.enqueue_indirect_dma source(%arg7 : memref<128x128xf32, #tpu.memory_space<vmem>>) target(%dma_start3A_234 : memref<512x128xf32, #tpu.memory_space<vmem_shared>>) offsets(%arg9 : memref<128xi32, #tpu.memory_space<vmem>>) semaphore(%run_scoped3A : memref<!tpu.dma_semaphore, #tpu.memory_space<semaphore_mem>>) {add = true}
      %dma_wait3A_235 = arith.constant 0 : i32
      %dma_wait3A_236 = arith.constant 0 : i32
      %dma_wait3A_237 = tpu.memref_slice %arg10[%dma_wait3A_235, %dma_wait3A_236] : memref<512x128xf32, #tpu.memory_space<vmem_shared>> -> memref<512x128xf32, #tpu.memory_space<vmem_shared>>
      tpu.wait_indirect_dma semaphore(%run_scoped3A : memref<!tpu.dma_semaphore, #tpu.memory_space<semaphore_mem>>) src(%arg7 : memref<128x128xf32, #tpu.memory_space<vmem>>) dst(%dma_wait3A_237 : memref<512x128xf32, #tpu.memory_space<vmem_shared>>)
      tpu.yield
    }) : () -> ()
    %add3A_123 = arith.constant 1152 : i32
    %add3A_124 = arith.addi %mul3A_2, %add3A_123 : i32
    %dma_start3A_125 = tpu.memref_slice %arg3[%add3A_124] : memref<65536xi32, #tpu.memory_space<hbm>> -> memref<128xi32, #tpu.memory_space<hbm>>
    %dma_start3A_126 = tpu.memref_slice %arg3[%add3A_124] : memref<65536xi32, #tpu.memory_space<hbm>> -> memref<128xi32, #tpu.memory_space<hbm>>
    tpu.enqueue_dma source(%dma_start3A_126 : memref<128xi32, #tpu.memory_space<hbm>>) target(%arg9 : memref<128xi32, #tpu.memory_space<vmem>>) target_semaphore(%arg12 : memref<!tpu.dma_semaphore, #tpu.memory_space<semaphore_mem>>)
    %dma_start3A_127 = arith.constant 0 : i32
    %dma_start3A_128 = tpu.memref_slice %arg2[%add3A_124, %dma_start3A_127] : memref<65536x128xf32, #tpu.memory_space<hbm>> -> memref<128x128xf32, #tpu.memory_space<hbm>>
    %dma_start3A_129 = arith.constant 0 : i32
    %dma_start3A_130 = tpu.memref_slice %arg2[%add3A_124, %dma_start3A_129] : memref<65536x128xf32, #tpu.memory_space<hbm>> -> memref<128x128xf32, #tpu.memory_space<hbm>>
    tpu.enqueue_dma source(%dma_start3A_130 : memref<128x128xf32, #tpu.memory_space<hbm>>) target(%arg7 : memref<128x128xf32, #tpu.memory_space<vmem>>) target_semaphore(%arg12 : memref<!tpu.dma_semaphore, #tpu.memory_space<semaphore_mem>>)
    %dma_wait3A_131 = tpu.memref_slice %arg3[%add3A_110] : memref<65536xi32, #tpu.memory_space<hbm>> -> memref<128xi32, #tpu.memory_space<hbm>>
    %dma_wait3A_132 = tpu.memref_slice %arg3[%add3A_110] : memref<65536xi32, #tpu.memory_space<hbm>> -> memref<128xi32, #tpu.memory_space<hbm>>
    tpu.wait_dma2 semaphore(%arg11 : memref<!tpu.dma_semaphore, #tpu.memory_space<semaphore_mem>>) src(%dma_wait3A_132 : memref<128xi32, #tpu.memory_space<hbm>>) dst(%arg8 : memref<128xi32, #tpu.memory_space<vmem>>)
    %dma_wait3A_133 = arith.constant 0 : i32
    %dma_wait3A_134 = tpu.memref_slice %arg2[%add3A_110, %dma_wait3A_133] : memref<65536x128xf32, #tpu.memory_space<hbm>> -> memref<128x128xf32, #tpu.memory_space<hbm>>
    %dma_wait3A_135 = arith.constant 0 : i32
    %dma_wait3A_136 = tpu.memref_slice %arg2[%add3A_110, %dma_wait3A_135] : memref<65536x128xf32, #tpu.memory_space<hbm>> -> memref<128x128xf32, #tpu.memory_space<hbm>>
    tpu.wait_dma2 semaphore(%arg11 : memref<!tpu.dma_semaphore, #tpu.memory_space<semaphore_mem>>) src(%dma_wait3A_136 : memref<128x128xf32, #tpu.memory_space<hbm>>) dst(%arg6 : memref<128x128xf32, #tpu.memory_space<vmem>>)
    "tpu.region"() ({
      %run_scoped3A = tpu.sem_alloc : memref<!tpu.dma_semaphore, #tpu.memory_space<semaphore_mem>>
      %dma_start3A_232 = arith.constant 0 : i32
      %dma_start3A_233 = arith.constant 0 : i32
      %dma_start3A_234 = tpu.memref_slice %arg10[%dma_start3A_232, %dma_start3A_233] : memref<512x128xf32, #tpu.memory_space<vmem_shared>> -> memref<512x128xf32, #tpu.memory_space<vmem_shared>>
      tpu.enqueue_indirect_dma source(%arg6 : memref<128x128xf32, #tpu.memory_space<vmem>>) target(%dma_start3A_234 : memref<512x128xf32, #tpu.memory_space<vmem_shared>>) offsets(%arg8 : memref<128xi32, #tpu.memory_space<vmem>>) semaphore(%run_scoped3A : memref<!tpu.dma_semaphore, #tpu.memory_space<semaphore_mem>>) {add = true}
      %dma_wait3A_235 = arith.constant 0 : i32
      %dma_wait3A_236 = arith.constant 0 : i32
      %dma_wait3A_237 = tpu.memref_slice %arg10[%dma_wait3A_235, %dma_wait3A_236] : memref<512x128xf32, #tpu.memory_space<vmem_shared>> -> memref<512x128xf32, #tpu.memory_space<vmem_shared>>
      tpu.wait_indirect_dma semaphore(%run_scoped3A : memref<!tpu.dma_semaphore, #tpu.memory_space<semaphore_mem>>) src(%arg6 : memref<128x128xf32, #tpu.memory_space<vmem>>) dst(%dma_wait3A_237 : memref<512x128xf32, #tpu.memory_space<vmem_shared>>)
      tpu.yield
    }) : () -> ()
    %add3A_137 = arith.constant 1280 : i32
    %add3A_138 = arith.addi %mul3A_2, %add3A_137 : i32
    %dma_start3A_139 = tpu.memref_slice %arg3[%add3A_138] : memref<65536xi32, #tpu.memory_space<hbm>> -> memref<128xi32, #tpu.memory_space<hbm>>
    %dma_start3A_140 = tpu.memref_slice %arg3[%add3A_138] : memref<65536xi32, #tpu.memory_space<hbm>> -> memref<128xi32, #tpu.memory_space<hbm>>
    tpu.enqueue_dma source(%dma_start3A_140 : memref<128xi32, #tpu.memory_space<hbm>>) target(%arg8 : memref<128xi32, #tpu.memory_space<vmem>>) target_semaphore(%arg11 : memref<!tpu.dma_semaphore, #tpu.memory_space<semaphore_mem>>)
    %dma_start3A_141 = arith.constant 0 : i32
    %dma_start3A_142 = tpu.memref_slice %arg2[%add3A_138, %dma_start3A_141] : memref<65536x128xf32, #tpu.memory_space<hbm>> -> memref<128x128xf32, #tpu.memory_space<hbm>>
    %dma_start3A_143 = arith.constant 0 : i32
    %dma_start3A_144 = tpu.memref_slice %arg2[%add3A_138, %dma_start3A_143] : memref<65536x128xf32, #tpu.memory_space<hbm>> -> memref<128x128xf32, #tpu.memory_space<hbm>>
    tpu.enqueue_dma source(%dma_start3A_144 : memref<128x128xf32, #tpu.memory_space<hbm>>) target(%arg6 : memref<128x128xf32, #tpu.memory_space<vmem>>) target_semaphore(%arg11 : memref<!tpu.dma_semaphore, #tpu.memory_space<semaphore_mem>>)
    %dma_wait3A_145 = tpu.memref_slice %arg3[%add3A_124] : memref<65536xi32, #tpu.memory_space<hbm>> -> memref<128xi32, #tpu.memory_space<hbm>>
    %dma_wait3A_146 = tpu.memref_slice %arg3[%add3A_124] : memref<65536xi32, #tpu.memory_space<hbm>> -> memref<128xi32, #tpu.memory_space<hbm>>
    tpu.wait_dma2 semaphore(%arg12 : memref<!tpu.dma_semaphore, #tpu.memory_space<semaphore_mem>>) src(%dma_wait3A_146 : memref<128xi32, #tpu.memory_space<hbm>>) dst(%arg9 : memref<128xi32, #tpu.memory_space<vmem>>)
    %dma_wait3A_147 = arith.constant 0 : i32
    %dma_wait3A_148 = tpu.memref_slice %arg2[%add3A_124, %dma_wait3A_147] : memref<65536x128xf32, #tpu.memory_space<hbm>> -> memref<128x128xf32, #tpu.memory_space<hbm>>
    %dma_wait3A_149 = arith.constant 0 : i32
    %dma_wait3A_150 = tpu.memref_slice %arg2[%add3A_124, %dma_wait3A_149] : memref<65536x128xf32, #tpu.memory_space<hbm>> -> memref<128x128xf32, #tpu.memory_space<hbm>>
    tpu.wait_dma2 semaphore(%arg12 : memref<!tpu.dma_semaphore, #tpu.memory_space<semaphore_mem>>) src(%dma_wait3A_150 : memref<128x128xf32, #tpu.memory_space<hbm>>) dst(%arg7 : memref<128x128xf32, #tpu.memory_space<vmem>>)
    "tpu.region"() ({
      %run_scoped3A = tpu.sem_alloc : memref<!tpu.dma_semaphore, #tpu.memory_space<semaphore_mem>>
      %dma_start3A_232 = arith.constant 0 : i32
      %dma_start3A_233 = arith.constant 0 : i32
      %dma_start3A_234 = tpu.memref_slice %arg10[%dma_start3A_232, %dma_start3A_233] : memref<512x128xf32, #tpu.memory_space<vmem_shared>> -> memref<512x128xf32, #tpu.memory_space<vmem_shared>>
      tpu.enqueue_indirect_dma source(%arg7 : memref<128x128xf32, #tpu.memory_space<vmem>>) target(%dma_start3A_234 : memref<512x128xf32, #tpu.memory_space<vmem_shared>>) offsets(%arg9 : memref<128xi32, #tpu.memory_space<vmem>>) semaphore(%run_scoped3A : memref<!tpu.dma_semaphore, #tpu.memory_space<semaphore_mem>>) {add = true}
      %dma_wait3A_235 = arith.constant 0 : i32
      %dma_wait3A_236 = arith.constant 0 : i32
      %dma_wait3A_237 = tpu.memref_slice %arg10[%dma_wait3A_235, %dma_wait3A_236] : memref<512x128xf32, #tpu.memory_space<vmem_shared>> -> memref<512x128xf32, #tpu.memory_space<vmem_shared>>
      tpu.wait_indirect_dma semaphore(%run_scoped3A : memref<!tpu.dma_semaphore, #tpu.memory_space<semaphore_mem>>) src(%arg7 : memref<128x128xf32, #tpu.memory_space<vmem>>) dst(%dma_wait3A_237 : memref<512x128xf32, #tpu.memory_space<vmem_shared>>)
      tpu.yield
    }) : () -> ()
    %add3A_151 = arith.constant 1408 : i32
    %add3A_152 = arith.addi %mul3A_2, %add3A_151 : i32
    %dma_start3A_153 = tpu.memref_slice %arg3[%add3A_152] : memref<65536xi32, #tpu.memory_space<hbm>> -> memref<128xi32, #tpu.memory_space<hbm>>
    %dma_start3A_154 = tpu.memref_slice %arg3[%add3A_152] : memref<65536xi32, #tpu.memory_space<hbm>> -> memref<128xi32, #tpu.memory_space<hbm>>
    tpu.enqueue_dma source(%dma_start3A_154 : memref<128xi32, #tpu.memory_space<hbm>>) target(%arg9 : memref<128xi32, #tpu.memory_space<vmem>>) target_semaphore(%arg12 : memref<!tpu.dma_semaphore, #tpu.memory_space<semaphore_mem>>)
    %dma_start3A_155 = arith.constant 0 : i32
    %dma_start3A_156 = tpu.memref_slice %arg2[%add3A_152, %dma_start3A_155] : memref<65536x128xf32, #tpu.memory_space<hbm>> -> memref<128x128xf32, #tpu.memory_space<hbm>>
    %dma_start3A_157 = arith.constant 0 : i32
    %dma_start3A_158 = tpu.memref_slice %arg2[%add3A_152, %dma_start3A_157] : memref<65536x128xf32, #tpu.memory_space<hbm>> -> memref<128x128xf32, #tpu.memory_space<hbm>>
    tpu.enqueue_dma source(%dma_start3A_158 : memref<128x128xf32, #tpu.memory_space<hbm>>) target(%arg7 : memref<128x128xf32, #tpu.memory_space<vmem>>) target_semaphore(%arg12 : memref<!tpu.dma_semaphore, #tpu.memory_space<semaphore_mem>>)
    %dma_wait3A_159 = tpu.memref_slice %arg3[%add3A_138] : memref<65536xi32, #tpu.memory_space<hbm>> -> memref<128xi32, #tpu.memory_space<hbm>>
    %dma_wait3A_160 = tpu.memref_slice %arg3[%add3A_138] : memref<65536xi32, #tpu.memory_space<hbm>> -> memref<128xi32, #tpu.memory_space<hbm>>
    tpu.wait_dma2 semaphore(%arg11 : memref<!tpu.dma_semaphore, #tpu.memory_space<semaphore_mem>>) src(%dma_wait3A_160 : memref<128xi32, #tpu.memory_space<hbm>>) dst(%arg8 : memref<128xi32, #tpu.memory_space<vmem>>)
    %dma_wait3A_161 = arith.constant 0 : i32
    %dma_wait3A_162 = tpu.memref_slice %arg2[%add3A_138, %dma_wait3A_161] : memref<65536x128xf32, #tpu.memory_space<hbm>> -> memref<128x128xf32, #tpu.memory_space<hbm>>
    %dma_wait3A_163 = arith.constant 0 : i32
    %dma_wait3A_164 = tpu.memref_slice %arg2[%add3A_138, %dma_wait3A_163] : memref<65536x128xf32, #tpu.memory_space<hbm>> -> memref<128x128xf32, #tpu.memory_space<hbm>>
    tpu.wait_dma2 semaphore(%arg11 : memref<!tpu.dma_semaphore, #tpu.memory_space<semaphore_mem>>) src(%dma_wait3A_164 : memref<128x128xf32, #tpu.memory_space<hbm>>) dst(%arg6 : memref<128x128xf32, #tpu.memory_space<vmem>>)
    "tpu.region"() ({
      %run_scoped3A = tpu.sem_alloc : memref<!tpu.dma_semaphore, #tpu.memory_space<semaphore_mem>>
      %dma_start3A_232 = arith.constant 0 : i32
      %dma_start3A_233 = arith.constant 0 : i32
      %dma_start3A_234 = tpu.memref_slice %arg10[%dma_start3A_232, %dma_start3A_233] : memref<512x128xf32, #tpu.memory_space<vmem_shared>> -> memref<512x128xf32, #tpu.memory_space<vmem_shared>>
      tpu.enqueue_indirect_dma source(%arg6 : memref<128x128xf32, #tpu.memory_space<vmem>>) target(%dma_start3A_234 : memref<512x128xf32, #tpu.memory_space<vmem_shared>>) offsets(%arg8 : memref<128xi32, #tpu.memory_space<vmem>>) semaphore(%run_scoped3A : memref<!tpu.dma_semaphore, #tpu.memory_space<semaphore_mem>>) {add = true}
      %dma_wait3A_235 = arith.constant 0 : i32
      %dma_wait3A_236 = arith.constant 0 : i32
      %dma_wait3A_237 = tpu.memref_slice %arg10[%dma_wait3A_235, %dma_wait3A_236] : memref<512x128xf32, #tpu.memory_space<vmem_shared>> -> memref<512x128xf32, #tpu.memory_space<vmem_shared>>
      tpu.wait_indirect_dma semaphore(%run_scoped3A : memref<!tpu.dma_semaphore, #tpu.memory_space<semaphore_mem>>) src(%arg6 : memref<128x128xf32, #tpu.memory_space<vmem>>) dst(%dma_wait3A_237 : memref<512x128xf32, #tpu.memory_space<vmem_shared>>)
      tpu.yield
    }) : () -> ()
    %add3A_165 = arith.constant 1536 : i32
    %add3A_166 = arith.addi %mul3A_2, %add3A_165 : i32
    %dma_start3A_167 = tpu.memref_slice %arg3[%add3A_166] : memref<65536xi32, #tpu.memory_space<hbm>> -> memref<128xi32, #tpu.memory_space<hbm>>
    %dma_start3A_168 = tpu.memref_slice %arg3[%add3A_166] : memref<65536xi32, #tpu.memory_space<hbm>> -> memref<128xi32, #tpu.memory_space<hbm>>
    tpu.enqueue_dma source(%dma_start3A_168 : memref<128xi32, #tpu.memory_space<hbm>>) target(%arg8 : memref<128xi32, #tpu.memory_space<vmem>>) target_semaphore(%arg11 : memref<!tpu.dma_semaphore, #tpu.memory_space<semaphore_mem>>)
    %dma_start3A_169 = arith.constant 0 : i32
    %dma_start3A_170 = tpu.memref_slice %arg2[%add3A_166, %dma_start3A_169] : memref<65536x128xf32, #tpu.memory_space<hbm>> -> memref<128x128xf32, #tpu.memory_space<hbm>>
    %dma_start3A_171 = arith.constant 0 : i32
    %dma_start3A_172 = tpu.memref_slice %arg2[%add3A_166, %dma_start3A_171] : memref<65536x128xf32, #tpu.memory_space<hbm>> -> memref<128x128xf32, #tpu.memory_space<hbm>>
    tpu.enqueue_dma source(%dma_start3A_172 : memref<128x128xf32, #tpu.memory_space<hbm>>) target(%arg6 : memref<128x128xf32, #tpu.memory_space<vmem>>) target_semaphore(%arg11 : memref<!tpu.dma_semaphore, #tpu.memory_space<semaphore_mem>>)
    %dma_wait3A_173 = tpu.memref_slice %arg3[%add3A_152] : memref<65536xi32, #tpu.memory_space<hbm>> -> memref<128xi32, #tpu.memory_space<hbm>>
    %dma_wait3A_174 = tpu.memref_slice %arg3[%add3A_152] : memref<65536xi32, #tpu.memory_space<hbm>> -> memref<128xi32, #tpu.memory_space<hbm>>
    tpu.wait_dma2 semaphore(%arg12 : memref<!tpu.dma_semaphore, #tpu.memory_space<semaphore_mem>>) src(%dma_wait3A_174 : memref<128xi32, #tpu.memory_space<hbm>>) dst(%arg9 : memref<128xi32, #tpu.memory_space<vmem>>)
    %dma_wait3A_175 = arith.constant 0 : i32
    %dma_wait3A_176 = tpu.memref_slice %arg2[%add3A_152, %dma_wait3A_175] : memref<65536x128xf32, #tpu.memory_space<hbm>> -> memref<128x128xf32, #tpu.memory_space<hbm>>
    %dma_wait3A_177 = arith.constant 0 : i32
    %dma_wait3A_178 = tpu.memref_slice %arg2[%add3A_152, %dma_wait3A_177] : memref<65536x128xf32, #tpu.memory_space<hbm>> -> memref<128x128xf32, #tpu.memory_space<hbm>>
    tpu.wait_dma2 semaphore(%arg12 : memref<!tpu.dma_semaphore, #tpu.memory_space<semaphore_mem>>) src(%dma_wait3A_178 : memref<128x128xf32, #tpu.memory_space<hbm>>) dst(%arg7 : memref<128x128xf32, #tpu.memory_space<vmem>>)
    "tpu.region"() ({
      %run_scoped3A = tpu.sem_alloc : memref<!tpu.dma_semaphore, #tpu.memory_space<semaphore_mem>>
      %dma_start3A_232 = arith.constant 0 : i32
      %dma_start3A_233 = arith.constant 0 : i32
      %dma_start3A_234 = tpu.memref_slice %arg10[%dma_start3A_232, %dma_start3A_233] : memref<512x128xf32, #tpu.memory_space<vmem_shared>> -> memref<512x128xf32, #tpu.memory_space<vmem_shared>>
      tpu.enqueue_indirect_dma source(%arg7 : memref<128x128xf32, #tpu.memory_space<vmem>>) target(%dma_start3A_234 : memref<512x128xf32, #tpu.memory_space<vmem_shared>>) offsets(%arg9 : memref<128xi32, #tpu.memory_space<vmem>>) semaphore(%run_scoped3A : memref<!tpu.dma_semaphore, #tpu.memory_space<semaphore_mem>>) {add = true}
      %dma_wait3A_235 = arith.constant 0 : i32
      %dma_wait3A_236 = arith.constant 0 : i32
      %dma_wait3A_237 = tpu.memref_slice %arg10[%dma_wait3A_235, %dma_wait3A_236] : memref<512x128xf32, #tpu.memory_space<vmem_shared>> -> memref<512x128xf32, #tpu.memory_space<vmem_shared>>
      tpu.wait_indirect_dma semaphore(%run_scoped3A : memref<!tpu.dma_semaphore, #tpu.memory_space<semaphore_mem>>) src(%arg7 : memref<128x128xf32, #tpu.memory_space<vmem>>) dst(%dma_wait3A_237 : memref<512x128xf32, #tpu.memory_space<vmem_shared>>)
      tpu.yield
    }) : () -> ()
    %add3A_179 = arith.constant 1664 : i32
    %add3A_180 = arith.addi %mul3A_2, %add3A_179 : i32
    %dma_start3A_181 = tpu.memref_slice %arg3[%add3A_180] : memref<65536xi32, #tpu.memory_space<hbm>> -> memref<128xi32, #tpu.memory_space<hbm>>
    %dma_start3A_182 = tpu.memref_slice %arg3[%add3A_180] : memref<65536xi32, #tpu.memory_space<hbm>> -> memref<128xi32, #tpu.memory_space<hbm>>
    tpu.enqueue_dma source(%dma_start3A_182 : memref<128xi32, #tpu.memory_space<hbm>>) target(%arg9 : memref<128xi32, #tpu.memory_space<vmem>>) target_semaphore(%arg12 : memref<!tpu.dma_semaphore, #tpu.memory_space<semaphore_mem>>)
    %dma_start3A_183 = arith.constant 0 : i32
    %dma_start3A_184 = tpu.memref_slice %arg2[%add3A_180, %dma_start3A_183] : memref<65536x128xf32, #tpu.memory_space<hbm>> -> memref<128x128xf32, #tpu.memory_space<hbm>>
    %dma_start3A_185 = arith.constant 0 : i32
    %dma_start3A_186 = tpu.memref_slice %arg2[%add3A_180, %dma_start3A_185] : memref<65536x128xf32, #tpu.memory_space<hbm>> -> memref<128x128xf32, #tpu.memory_space<hbm>>
    tpu.enqueue_dma source(%dma_start3A_186 : memref<128x128xf32, #tpu.memory_space<hbm>>) target(%arg7 : memref<128x128xf32, #tpu.memory_space<vmem>>) target_semaphore(%arg12 : memref<!tpu.dma_semaphore, #tpu.memory_space<semaphore_mem>>)
    %dma_wait3A_187 = tpu.memref_slice %arg3[%add3A_166] : memref<65536xi32, #tpu.memory_space<hbm>> -> memref<128xi32, #tpu.memory_space<hbm>>
    %dma_wait3A_188 = tpu.memref_slice %arg3[%add3A_166] : memref<65536xi32, #tpu.memory_space<hbm>> -> memref<128xi32, #tpu.memory_space<hbm>>
    tpu.wait_dma2 semaphore(%arg11 : memref<!tpu.dma_semaphore, #tpu.memory_space<semaphore_mem>>) src(%dma_wait3A_188 : memref<128xi32, #tpu.memory_space<hbm>>) dst(%arg8 : memref<128xi32, #tpu.memory_space<vmem>>)
    %dma_wait3A_189 = arith.constant 0 : i32
    %dma_wait3A_190 = tpu.memref_slice %arg2[%add3A_166, %dma_wait3A_189] : memref<65536x128xf32, #tpu.memory_space<hbm>> -> memref<128x128xf32, #tpu.memory_space<hbm>>
    %dma_wait3A_191 = arith.constant 0 : i32
    %dma_wait3A_192 = tpu.memref_slice %arg2[%add3A_166, %dma_wait3A_191] : memref<65536x128xf32, #tpu.memory_space<hbm>> -> memref<128x128xf32, #tpu.memory_space<hbm>>
    tpu.wait_dma2 semaphore(%arg11 : memref<!tpu.dma_semaphore, #tpu.memory_space<semaphore_mem>>) src(%dma_wait3A_192 : memref<128x128xf32, #tpu.memory_space<hbm>>) dst(%arg6 : memref<128x128xf32, #tpu.memory_space<vmem>>)
    "tpu.region"() ({
      %run_scoped3A = tpu.sem_alloc : memref<!tpu.dma_semaphore, #tpu.memory_space<semaphore_mem>>
      %dma_start3A_232 = arith.constant 0 : i32
      %dma_start3A_233 = arith.constant 0 : i32
      %dma_start3A_234 = tpu.memref_slice %arg10[%dma_start3A_232, %dma_start3A_233] : memref<512x128xf32, #tpu.memory_space<vmem_shared>> -> memref<512x128xf32, #tpu.memory_space<vmem_shared>>
      tpu.enqueue_indirect_dma source(%arg6 : memref<128x128xf32, #tpu.memory_space<vmem>>) target(%dma_start3A_234 : memref<512x128xf32, #tpu.memory_space<vmem_shared>>) offsets(%arg8 : memref<128xi32, #tpu.memory_space<vmem>>) semaphore(%run_scoped3A : memref<!tpu.dma_semaphore, #tpu.memory_space<semaphore_mem>>) {add = true}
      %dma_wait3A_235 = arith.constant 0 : i32
      %dma_wait3A_236 = arith.constant 0 : i32
      %dma_wait3A_237 = tpu.memref_slice %arg10[%dma_wait3A_235, %dma_wait3A_236] : memref<512x128xf32, #tpu.memory_space<vmem_shared>> -> memref<512x128xf32, #tpu.memory_space<vmem_shared>>
      tpu.wait_indirect_dma semaphore(%run_scoped3A : memref<!tpu.dma_semaphore, #tpu.memory_space<semaphore_mem>>) src(%arg6 : memref<128x128xf32, #tpu.memory_space<vmem>>) dst(%dma_wait3A_237 : memref<512x128xf32, #tpu.memory_space<vmem_shared>>)
      tpu.yield
    }) : () -> ()
    %add3A_193 = arith.constant 1792 : i32
    %add3A_194 = arith.addi %mul3A_2, %add3A_193 : i32
    %dma_start3A_195 = tpu.memref_slice %arg3[%add3A_194] : memref<65536xi32, #tpu.memory_space<hbm>> -> memref<128xi32, #tpu.memory_space<hbm>>
    %dma_start3A_196 = tpu.memref_slice %arg3[%add3A_194] : memref<65536xi32, #tpu.memory_space<hbm>> -> memref<128xi32, #tpu.memory_space<hbm>>
    tpu.enqueue_dma source(%dma_start3A_196 : memref<128xi32, #tpu.memory_space<hbm>>) target(%arg8 : memref<128xi32, #tpu.memory_space<vmem>>) target_semaphore(%arg11 : memref<!tpu.dma_semaphore, #tpu.memory_space<semaphore_mem>>)
    %dma_start3A_197 = arith.constant 0 : i32
    %dma_start3A_198 = tpu.memref_slice %arg2[%add3A_194, %dma_start3A_197] : memref<65536x128xf32, #tpu.memory_space<hbm>> -> memref<128x128xf32, #tpu.memory_space<hbm>>
    %dma_start3A_199 = arith.constant 0 : i32
    %dma_start3A_200 = tpu.memref_slice %arg2[%add3A_194, %dma_start3A_199] : memref<65536x128xf32, #tpu.memory_space<hbm>> -> memref<128x128xf32, #tpu.memory_space<hbm>>
    tpu.enqueue_dma source(%dma_start3A_200 : memref<128x128xf32, #tpu.memory_space<hbm>>) target(%arg6 : memref<128x128xf32, #tpu.memory_space<vmem>>) target_semaphore(%arg11 : memref<!tpu.dma_semaphore, #tpu.memory_space<semaphore_mem>>)
    %dma_wait3A_201 = tpu.memref_slice %arg3[%add3A_180] : memref<65536xi32, #tpu.memory_space<hbm>> -> memref<128xi32, #tpu.memory_space<hbm>>
    %dma_wait3A_202 = tpu.memref_slice %arg3[%add3A_180] : memref<65536xi32, #tpu.memory_space<hbm>> -> memref<128xi32, #tpu.memory_space<hbm>>
    tpu.wait_dma2 semaphore(%arg12 : memref<!tpu.dma_semaphore, #tpu.memory_space<semaphore_mem>>) src(%dma_wait3A_202 : memref<128xi32, #tpu.memory_space<hbm>>) dst(%arg9 : memref<128xi32, #tpu.memory_space<vmem>>)
    %dma_wait3A_203 = arith.constant 0 : i32
    %dma_wait3A_204 = tpu.memref_slice %arg2[%add3A_180, %dma_wait3A_203] : memref<65536x128xf32, #tpu.memory_space<hbm>> -> memref<128x128xf32, #tpu.memory_space<hbm>>
    %dma_wait3A_205 = arith.constant 0 : i32
    %dma_wait3A_206 = tpu.memref_slice %arg2[%add3A_180, %dma_wait3A_205] : memref<65536x128xf32, #tpu.memory_space<hbm>> -> memref<128x128xf32, #tpu.memory_space<hbm>>
    tpu.wait_dma2 semaphore(%arg12 : memref<!tpu.dma_semaphore, #tpu.memory_space<semaphore_mem>>) src(%dma_wait3A_206 : memref<128x128xf32, #tpu.memory_space<hbm>>) dst(%arg7 : memref<128x128xf32, #tpu.memory_space<vmem>>)
    "tpu.region"() ({
      %run_scoped3A = tpu.sem_alloc : memref<!tpu.dma_semaphore, #tpu.memory_space<semaphore_mem>>
      %dma_start3A_232 = arith.constant 0 : i32
      %dma_start3A_233 = arith.constant 0 : i32
      %dma_start3A_234 = tpu.memref_slice %arg10[%dma_start3A_232, %dma_start3A_233] : memref<512x128xf32, #tpu.memory_space<vmem_shared>> -> memref<512x128xf32, #tpu.memory_space<vmem_shared>>
      tpu.enqueue_indirect_dma source(%arg7 : memref<128x128xf32, #tpu.memory_space<vmem>>) target(%dma_start3A_234 : memref<512x128xf32, #tpu.memory_space<vmem_shared>>) offsets(%arg9 : memref<128xi32, #tpu.memory_space<vmem>>) semaphore(%run_scoped3A : memref<!tpu.dma_semaphore, #tpu.memory_space<semaphore_mem>>) {add = true}
      %dma_wait3A_235 = arith.constant 0 : i32
      %dma_wait3A_236 = arith.constant 0 : i32
      %dma_wait3A_237 = tpu.memref_slice %arg10[%dma_wait3A_235, %dma_wait3A_236] : memref<512x128xf32, #tpu.memory_space<vmem_shared>> -> memref<512x128xf32, #tpu.memory_space<vmem_shared>>
      tpu.wait_indirect_dma semaphore(%run_scoped3A : memref<!tpu.dma_semaphore, #tpu.memory_space<semaphore_mem>>) src(%arg7 : memref<128x128xf32, #tpu.memory_space<vmem>>) dst(%dma_wait3A_237 : memref<512x128xf32, #tpu.memory_space<vmem_shared>>)
      tpu.yield
    }) : () -> ()
    %add3A_207 = arith.constant 1920 : i32
    %add3A_208 = arith.addi %mul3A_2, %add3A_207 : i32
    %dma_start3A_209 = tpu.memref_slice %arg3[%add3A_208] : memref<65536xi32, #tpu.memory_space<hbm>> -> memref<128xi32, #tpu.memory_space<hbm>>
    %dma_start3A_210 = tpu.memref_slice %arg3[%add3A_208] : memref<65536xi32, #tpu.memory_space<hbm>> -> memref<128xi32, #tpu.memory_space<hbm>>
    tpu.enqueue_dma source(%dma_start3A_210 : memref<128xi32, #tpu.memory_space<hbm>>) target(%arg9 : memref<128xi32, #tpu.memory_space<vmem>>) target_semaphore(%arg12 : memref<!tpu.dma_semaphore, #tpu.memory_space<semaphore_mem>>)
    %dma_start3A_211 = arith.constant 0 : i32
    %dma_start3A_212 = tpu.memref_slice %arg2[%add3A_208, %dma_start3A_211] : memref<65536x128xf32, #tpu.memory_space<hbm>> -> memref<128x128xf32, #tpu.memory_space<hbm>>
    %dma_start3A_213 = arith.constant 0 : i32
    %dma_start3A_214 = tpu.memref_slice %arg2[%add3A_208, %dma_start3A_213] : memref<65536x128xf32, #tpu.memory_space<hbm>> -> memref<128x128xf32, #tpu.memory_space<hbm>>
    tpu.enqueue_dma source(%dma_start3A_214 : memref<128x128xf32, #tpu.memory_space<hbm>>) target(%arg7 : memref<128x128xf32, #tpu.memory_space<vmem>>) target_semaphore(%arg12 : memref<!tpu.dma_semaphore, #tpu.memory_space<semaphore_mem>>)
    %dma_wait3A_215 = tpu.memref_slice %arg3[%add3A_194] : memref<65536xi32, #tpu.memory_space<hbm>> -> memref<128xi32, #tpu.memory_space<hbm>>
    %dma_wait3A_216 = tpu.memref_slice %arg3[%add3A_194] : memref<65536xi32, #tpu.memory_space<hbm>> -> memref<128xi32, #tpu.memory_space<hbm>>
    tpu.wait_dma2 semaphore(%arg11 : memref<!tpu.dma_semaphore, #tpu.memory_space<semaphore_mem>>) src(%dma_wait3A_216 : memref<128xi32, #tpu.memory_space<hbm>>) dst(%arg8 : memref<128xi32, #tpu.memory_space<vmem>>)
    %dma_wait3A_217 = arith.constant 0 : i32
    %dma_wait3A_218 = tpu.memref_slice %arg2[%add3A_194, %dma_wait3A_217] : memref<65536x128xf32, #tpu.memory_space<hbm>> -> memref<128x128xf32, #tpu.memory_space<hbm>>
    %dma_wait3A_219 = arith.constant 0 : i32
    %dma_wait3A_220 = tpu.memref_slice %arg2[%add3A_194, %dma_wait3A_219] : memref<65536x128xf32, #tpu.memory_space<hbm>> -> memref<128x128xf32, #tpu.memory_space<hbm>>
    tpu.wait_dma2 semaphore(%arg11 : memref<!tpu.dma_semaphore, #tpu.memory_space<semaphore_mem>>) src(%dma_wait3A_220 : memref<128x128xf32, #tpu.memory_space<hbm>>) dst(%arg6 : memref<128x128xf32, #tpu.memory_space<vmem>>)
    "tpu.region"() ({
      %run_scoped3A = tpu.sem_alloc : memref<!tpu.dma_semaphore, #tpu.memory_space<semaphore_mem>>
      %dma_start3A_232 = arith.constant 0 : i32
      %dma_start3A_233 = arith.constant 0 : i32
      %dma_start3A_234 = tpu.memref_slice %arg10[%dma_start3A_232, %dma_start3A_233] : memref<512x128xf32, #tpu.memory_space<vmem_shared>> -> memref<512x128xf32, #tpu.memory_space<vmem_shared>>
      tpu.enqueue_indirect_dma source(%arg6 : memref<128x128xf32, #tpu.memory_space<vmem>>) target(%dma_start3A_234 : memref<512x128xf32, #tpu.memory_space<vmem_shared>>) offsets(%arg8 : memref<128xi32, #tpu.memory_space<vmem>>) semaphore(%run_scoped3A : memref<!tpu.dma_semaphore, #tpu.memory_space<semaphore_mem>>) {add = true}
      %dma_wait3A_235 = arith.constant 0 : i32
      %dma_wait3A_236 = arith.constant 0 : i32
      %dma_wait3A_237 = tpu.memref_slice %arg10[%dma_wait3A_235, %dma_wait3A_236] : memref<512x128xf32, #tpu.memory_space<vmem_shared>> -> memref<512x128xf32, #tpu.memory_space<vmem_shared>>
      tpu.wait_indirect_dma semaphore(%run_scoped3A : memref<!tpu.dma_semaphore, #tpu.memory_space<semaphore_mem>>) src(%arg6 : memref<128x128xf32, #tpu.memory_space<vmem>>) dst(%dma_wait3A_237 : memref<512x128xf32, #tpu.memory_space<vmem_shared>>)
      tpu.yield
    }) : () -> ()
    %dma_wait3A_221 = tpu.memref_slice %arg3[%add3A_208] : memref<65536xi32, #tpu.memory_space<hbm>> -> memref<128xi32, #tpu.memory_space<hbm>>
    %dma_wait3A_222 = tpu.memref_slice %arg3[%add3A_208] : memref<65536xi32, #tpu.memory_space<hbm>> -> memref<128xi32, #tpu.memory_space<hbm>>
    tpu.wait_dma2 semaphore(%arg12 : memref<!tpu.dma_semaphore, #tpu.memory_space<semaphore_mem>>) src(%dma_wait3A_222 : memref<128xi32, #tpu.memory_space<hbm>>) dst(%arg9 : memref<128xi32, #tpu.memory_space<vmem>>)
    %dma_wait3A_223 = arith.constant 0 : i32
    %dma_wait3A_224 = tpu.memref_slice %arg2[%add3A_208, %dma_wait3A_223] : memref<65536x128xf32, #tpu.memory_space<hbm>> -> memref<128x128xf32, #tpu.memory_space<hbm>>
    %dma_wait3A_225 = arith.constant 0 : i32
    %dma_wait3A_226 = tpu.memref_slice %arg2[%add3A_208, %dma_wait3A_225] : memref<65536x128xf32, #tpu.memory_space<hbm>> -> memref<128x128xf32, #tpu.memory_space<hbm>>
    tpu.wait_dma2 semaphore(%arg12 : memref<!tpu.dma_semaphore, #tpu.memory_space<semaphore_mem>>) src(%dma_wait3A_226 : memref<128x128xf32, #tpu.memory_space<hbm>>) dst(%arg7 : memref<128x128xf32, #tpu.memory_space<vmem>>)
    "tpu.region"() ({
      %run_scoped3A = tpu.sem_alloc : memref<!tpu.dma_semaphore, #tpu.memory_space<semaphore_mem>>
      %dma_start3A_232 = arith.constant 0 : i32
      %dma_start3A_233 = arith.constant 0 : i32
      %dma_start3A_234 = tpu.memref_slice %arg10[%dma_start3A_232, %dma_start3A_233] : memref<512x128xf32, #tpu.memory_space<vmem_shared>> -> memref<512x128xf32, #tpu.memory_space<vmem_shared>>
      tpu.enqueue_indirect_dma source(%arg7 : memref<128x128xf32, #tpu.memory_space<vmem>>) target(%dma_start3A_234 : memref<512x128xf32, #tpu.memory_space<vmem_shared>>) offsets(%arg9 : memref<128xi32, #tpu.memory_space<vmem>>) semaphore(%run_scoped3A : memref<!tpu.dma_semaphore, #tpu.memory_space<semaphore_mem>>) {add = true}
      %dma_wait3A_235 = arith.constant 0 : i32
      %dma_wait3A_236 = arith.constant 0 : i32
      %dma_wait3A_237 = tpu.memref_slice %arg10[%dma_wait3A_235, %dma_wait3A_236] : memref<512x128xf32, #tpu.memory_space<vmem_shared>> -> memref<512x128xf32, #tpu.memory_space<vmem_shared>>
      tpu.wait_indirect_dma semaphore(%run_scoped3A : memref<!tpu.dma_semaphore, #tpu.memory_space<semaphore_mem>>) src(%arg7 : memref<128x128xf32, #tpu.memory_space<vmem>>) dst(%dma_wait3A_237 : memref<512x128xf32, #tpu.memory_space<vmem_shared>>)
      tpu.yield
    }) : () -> ()
    %barrier3A_227 = arith.constant 0 : index
    tpu.barrier barrier_id(%barrier3A_227)
    %mul3A_228 = arith.constant 32 : i32
    %mul3A_229 = arith.muli %arg1, %mul3A_228 : i32
    %mul3A_230 = arith.constant 32 : i32
    %mul3A_231 = arith.muli %arg1, %mul3A_230 : i32
    "tpu.region"() ({
      %run_scoped3A = tpu.sem_alloc : memref<!tpu.dma_semaphore, #tpu.memory_space<semaphore_mem>>
      %dma_start3A_232 = arith.constant 0 : i32
      %dma_start3A_233 = tpu.memref_slice %arg5[%arg0, %mul3A_231, %dma_start3A_232] : memref<2x512x128xf32, #tpu.memory_space<hbm>> -> memref<1x32x128xf32, #tpu.memory_space<hbm>>
      %dma_start3A_234 = tpu.memref_squeeze %dma_start3A_233 : memref<1x32x128xf32, #tpu.memory_space<hbm>> -> memref<32x128xf32, #tpu.memory_space<hbm>>
      %dma_start3A_235 = arith.constant 0 : i32
      %dma_start3A_236 = tpu.memref_slice %arg10[%mul3A_229, %dma_start3A_235] : memref<512x128xf32, #tpu.memory_space<vmem_shared>> -> memref<32x128xf32, #tpu.memory_space<vmem_shared>>
      tpu.enqueue_dma source(%dma_start3A_236 : memref<32x128xf32, #tpu.memory_space<vmem_shared>>) target(%dma_start3A_234 : memref<32x128xf32, #tpu.memory_space<hbm>>) target_semaphore(%run_scoped3A : memref<!tpu.dma_semaphore, #tpu.memory_space<semaphore_mem>>)
      %dma_wait3A_237 = arith.constant 0 : i32
      %dma_wait3A_238 = tpu.memref_slice %arg5[%arg0, %mul3A_231, %dma_wait3A_237] : memref<2x512x128xf32, #tpu.memory_space<hbm>> -> memref<1x32x128xf32, #tpu.memory_space<hbm>>
      %dma_wait3A_239 = tpu.memref_squeeze %dma_wait3A_238 : memref<1x32x128xf32, #tpu.memory_space<hbm>> -> memref<32x128xf32, #tpu.memory_space<hbm>>
      %dma_wait3A_240 = arith.constant 0 : i32
      %dma_wait3A_241 = tpu.memref_slice %arg10[%mul3A_229, %dma_wait3A_240] : memref<512x128xf32, #tpu.memory_space<vmem_shared>> -> memref<32x128xf32, #tpu.memory_space<vmem_shared>>
      tpu.wait_dma2 semaphore(%run_scoped3A : memref<!tpu.dma_semaphore, #tpu.memory_space<semaphore_mem>>) src(%dma_wait3A_241 : memref<32x128xf32, #tpu.memory_space<vmem_shared>>) dst(%dma_wait3A_239 : memref<32x128xf32, #tpu.memory_space<hbm>>)
      tpu.yield
    }) : () -> ()
    return
  }
}

module attributes {stable_mosaic.version = 14 : i64} {
  func.func @_assign_body(%arg0: i32, %arg1: memref<4096x128xf32, #tpu.memory_space<vmem>>, %arg2: memref<512x128xf32, #tpu.memory_space<vmem>>, %arg3: memref<4096xi32, #tpu.memory_space<vmem>>, %arg4: memref<512xf32, #tpu.memory_space<vmem>>) attributes {dimension_semantics = [#tpu.dimension_semantics<arbitrary>], iteration_bounds = array<i64: 16>, scalar_prefetch = 0 : i64, scratch_operands = 0 : i64, tpu.core_type = #tpu.core_type<tc>, window_params = [{transform_indices = @transform_0, window_bounds = array<i64: 4096, 128>}, {pipeline_mode = #tpu.pipeline_mode<synchronous>, transform_indices = @transform_1, window_bounds = array<i64: 512, 128>}, {transform_indices = @transform_2, window_bounds = array<i64: 4096>}, {pipeline_mode = #tpu.pipeline_mode<synchronous>, transform_indices = @transform_3, window_bounds = array<i64: 512>}]} {
    %get3A = arith.constant 0 : index
    %get3A_0 = arith.constant 0 : index
    %get3A_1 = vector.load %arg1[%get3A, %get3A_0] : memref<4096x128xf32, #tpu.memory_space<vmem>>, vector<4096x128xf32>
    %get3A_2 = arith.constant 0 : index
    %get3A_3 = arith.constant 0 : index
    %get3A_4 = vector.load %arg2[%get3A_2, %get3A_3] : memref<512x128xf32, #tpu.memory_space<vmem>>, vector<512x128xf32>
    %mul3A = arith.mulf %get3A_4, %get3A_4 : vector<512x128xf32>
    %reduce_sum3A = arith.constant dense<0.000000e+00> : vector<512xf32>
    %reduce_sum3A_5 = vector.multi_reduction <add>, %mul3A, %reduce_sum3A [1] : vector<512x128xf32> to vector<512xf32>
    %mul3A_6 = arith.mulf %get3A_1, %get3A_1 : vector<4096x128xf32>
    %reduce_sum3A_7 = arith.constant dense<0.000000e+00> : vector<4096xf32>
    %reduce_sum3A_8 = vector.multi_reduction <add>, %mul3A_6, %reduce_sum3A_7 [1] : vector<4096x128xf32> to vector<4096xf32>
    %broadcast_in_dim3A = vector.shape_cast %reduce_sum3A_8 : vector<4096xf32> to vector<4096x1xf32>
    %dot_general3A = arith.constant dense<0.000000e+00> : vector<4096x512xf32>
    %dot_general3A_9 = tpu.matmul %get3A_1, %get3A_4, %dot_general3A {dimension_numbers = #tpu.dot_dimension_numbers<[1], [1], [0], [0], [0, 0, 1, 0], [], []>, transpose_lhs_hint = false} : vector<4096x128xf32>, vector<512x128xf32>, vector<4096x512xf32> -> vector<4096x512xf32>
    %mul3A_10 = arith.constant 2.000000e+00 : f32
    %mul3A_11 = vector.broadcast %mul3A_10 : f32 to vector<4096x512xf32>
    %mul3A_12 = arith.mulf %mul3A_11, %dot_general3A_9 : vector<4096x512xf32>
    %sub3A = vector.broadcast %broadcast_in_dim3A : vector<4096x1xf32> to vector<4096x512xf32>
    %sub3A_13 = arith.subf %sub3A, %mul3A_12 : vector<4096x512xf32>
    %broadcast_in_dim3A_14 = vector.shape_cast %reduce_sum3A_5 : vector<512xf32> to vector<1x512xf32>
    %add3A = vector.broadcast %broadcast_in_dim3A_14 : vector<1x512xf32> to vector<4096x512xf32>
    %add3A_15 = arith.addf %sub3A_13, %add3A : vector<4096x512xf32>
    %reduce_min3A = arith.constant dense<0x7F800000> : vector<4096xf32>
    %reduce_min3A_16 = vector.multi_reduction <minimumf>, %add3A_15, %reduce_min3A [1] : vector<4096x512xf32> to vector<4096xf32>
    %broadcast_in_dim3A_17 = vector.shape_cast %reduce_min3A_16 : vector<4096xf32> to vector<4096x1xf32>
    %iota3A = tpu.iota {dimensions = array<i32: 1>} : vector<4096x512xi32>
    %eq3A = vector.broadcast %broadcast_in_dim3A_17 : vector<4096x1xf32> to vector<4096x512xf32>
    %eq3A_18 = arith.cmpf oeq, %add3A_15, %eq3A : vector<4096x512xf32>
    %jit3A = arith.constant 512 : i32
    %broadcast_in_dim3A_19 = vector.broadcast %jit3A : i32 to vector<4096x512xi32>
    %select_n3A = arith.select %eq3A_18, %iota3A, %broadcast_in_dim3A_19 : vector<4096x512xi1>, vector<4096x512xi32>
    %reduce_min3A_20 = arith.constant dense<2147483647> : vector<4096xi32>
    %reduce_min3A_21 = vector.multi_reduction <minsi>, %select_n3A, %reduce_min3A_20 [1] : vector<4096x512xi32> to vector<4096xi32>
    %swap3A = arith.constant 0 : index
    %swap3A_22 = vector.load %arg3[%swap3A] : memref<4096xi32, #tpu.memory_space<vmem>>, vector<4096xi32>
    tpu.vector_store %arg3[%swap3A], %reduce_min3A_21 {strides = array<i32>} : memref<4096xi32, #tpu.memory_space<vmem>>, vector<4096xi32>,
    %broadcast_in_dim3A_23 = vector.shape_cast %reduce_min3A_21 : vector<4096xi32> to vector<4096x1xi32>
    %eq3A_24 = vector.broadcast %broadcast_in_dim3A_23 : vector<4096x1xi32> to vector<4096x512xi32>
    %eq3A_25 = arith.cmpi eq, %iota3A, %eq3A_24 : vector<4096x512xi32>
    %convert_element_type3A = arith.extui %eq3A_25 : vector<4096x512xi1> to vector<4096x512xi32>
    %convert_element_type3A_26 = arith.sitofp %convert_element_type3A : vector<4096x512xi32> to vector<4096x512xf32>
    %reduce_sum3A_27 = arith.constant dense<0.000000e+00> : vector<512xf32>
    %reduce_sum3A_28 = vector.multi_reduction <add>, %convert_element_type3A_26, %reduce_sum3A_27 [0] : vector<4096x512xf32> to vector<512xf32>
    %eq3A_29 = arith.constant 0 : i32
    %eq3A_30 = arith.cmpi eq, %arg0, %eq3A_29 : i32
    %convert_element_type3A_31 = arith.extui %eq3A_30 : i1 to i32
    %cond3A = arith.constant 0 : i32
    %cond3A_32 = arith.cmpi ne, %convert_element_type3A_31, %cond3A : i32
    scf.if %cond3A_32 {
      %broadcast_in_dim3A_38 = arith.constant 0.000000e+00 : f32
      %broadcast_in_dim3A_39 = vector.broadcast %broadcast_in_dim3A_38 : f32 to vector<512xf32>
      %swap3A_40 = arith.constant 0 : index
      %swap3A_41 = vector.load %arg4[%swap3A_40] : memref<512xf32, #tpu.memory_space<vmem>>, vector<512xf32>
      tpu.vector_store %arg4[%swap3A_40], %broadcast_in_dim3A_39 {strides = array<i32>} : memref<512xf32, #tpu.memory_space<vmem>>, vector<512xf32>,
    } else {
    }
    %get3A_33 = arith.constant 0 : index
    %get3A_34 = vector.load %arg4[%get3A_33] : memref<512xf32, #tpu.memory_space<vmem>>, vector<512xf32>
    %add3A_35 = arith.addf %get3A_34, %reduce_sum3A_28 : vector<512xf32>
    %swap3A_36 = arith.constant 0 : index
    %swap3A_37 = vector.load %arg4[%swap3A_36] : memref<512xf32, #tpu.memory_space<vmem>>, vector<512xf32>
    tpu.vector_store %arg4[%swap3A_36], %add3A_35 {strides = array<i32>} : memref<512xf32, #tpu.memory_space<vmem>>, vector<512xf32>,
    return
  }
  func.func @transform_0(%arg0: i32) -> (i32, i32) {
    %c0_i32 = arith.constant 0 : i32
    %c0_i32_0 = arith.constant 0 : i32
    return %arg0, %c0_i32 : i32, i32
  }
  func.func @transform_1(%arg0: i32) -> (i32, i32) {
    %c0_i32 = arith.constant 0 : i32
    %c0_i32_0 = arith.constant 0 : i32
    %c0_i32_1 = arith.constant 0 : i32
    return %c0_i32, %c0_i32_0 : i32, i32
  }
  func.func @transform_2(%arg0: i32) -> i32 {
    %c0_i32 = arith.constant 0 : i32
    return %arg0 : i32
  }
  func.func @transform_3(%arg0: i32) -> i32 {
    %c0_i32 = arith.constant 0 : i32
    %c0_i32_0 = arith.constant 0 : i32
    return %c0_i32 : i32
  }
}

</mosaic_0001>

<sc_bundles>
// kernel: closed_call.14.cloned.1.call-start
scs
__scs_entry_jumppad:
0x0: {  	(pc) =	sbr.rel $0x88, $3  }
0x1: {  	(tag) =	ssettag $0x0;
	lr =	simm.s32 $0x1  }
0x2: {  	[smem:$0x3FA0] =	sst lr;
	_ =	strace $0xD0000000  }
0x3: {  	_ = 	snop  }
0x4: {  	_ = 	snop  }
0x5: {  	_ = 	snop  }
0x6: {  	_ = 	snop  }
0x7: {  	_ = 	snop  }
__scs_overlays_trampoline_lowered:
0x8: {  	[smem:$0x3FAF] =	sst s0  }
0x9: {  	[smem:$0x3FB0] =	sst s1  }
0xa: {  	[smem:$0x3FB1] =	sst s2  }
0xb: {  	[smem:$0x3FB2] =	sst s3  }
0xc: {  	[smem:$0x3FB3] =	sst s4  }
0xd: {  	[smem:$0x3FB4] =	sst s5  }
0xe: {  	[smem:$0x3FB5] =	sst s6  }
0xf: {  	[smem:$0x3FB6] =	sst s7  }
0x10: {  	[smem:$0x3FB7] =	sst s8  }
0x11: {  	[smem:$0x3FB8] =	sst s9;
	s0 =	simm.s32 @!p0 $0x0  }
0x12: {  	s1 =	sld [smem:$0x3F9E];
	s0 =	simm.s32 @p0 $0x1  }
0x13: {  	[smem:$0x3FB9] =	sst s0;
	s0 =	simm.s32 @!p1 $0x0  }
0x14: {  	s2 =	sld [smem:$0x3F9D];
	s0 =	simm.s32 @p1 $0x1  }
0x15: {  	[smem:$0x3FBA] =	sst s0;
	s0 =	simm.s32 @!p2 $0x0  }
0x16: {  	s3 =	sld [smem:$0x3FDB];
	s0 =	simm.s32 @p2 $0x1  }
0x17: {  	s4 =	simm.s32 $0x1BF5;
	[smem:$0x3FBC] =	sst s0  }
0x18: {  	s0 =	sld [smem:$0x3F9F];
	_ =	swait.ge [sflag:s4], $0x0  }
0x19: {  	s7 =	sld [smem:$0x3FA0]  }
0x1a: {  	s8 =	sadd.s32 $0xFFFFE003, lr  }
0x1b: {  	s9 =	sadd.s32 $0xFFFFFEF7, lr;
	s5 =	simm.s32 $0xFFFFFFFF;
	p2 =	slt.u32 s8, $0xFFFFF086  }
0x1c: {  	p1 =	slt.u32 s9, $0xF7A;
	s5 =	simm.s32 @!p2 $0x0  }
0x1d: {  	s5 =	simm.s32 @p1 $0x1;
	p0 =	seq.s32 s7, s2  }
0x1e: {  	s7 =	smul.u32 @!p0 $0xF7A, s2;
	p2 =	seq.s32 @!p0 s5, $0x0  }
0x1f: {  	s9 =	smul.u32 $0xF7A, s1;
	s8 =	simm.s32 @!p0 $0x1BF5;
	p2 =	por !p2, p0  }
0x20: {  	[sflag:s8] =	ssyncset.s32 @!p0 $0xFFFFF086;
	s6 =	sadd.s32 @!p0 s3, s7;
	s7 =	simm.s32 @!p0 $0x108  }
0x21: {  	s3 =	sadd.s32 s3, s9;
	s6 =	sadd.s32 @!p0 $0x88, s6;
	s7 =	simm.s32 @p2 $0x1082  }
0x22: {  	[simem:s7], [sflag:s8] =	dma.local @!p0 [hbm:s6], $0xF7A  }
0x23: {  	s9 =	sor.u32 $0xD0000000, s2;
	s6 =	simm.s32 $0x108;
	_ =	swait.ge @!p0 [sflag:s8], $0x0  }
0x24: {  	s3 =	sadd.s32 $0x88, s3;
	s6 =	simm.s32 @!p1 $0x1082;
	[sflag:s4] =	ssyncset.s32 $0xFFFFF086  }
0x25: {  	[simem:s6], [sflag:s4] =	dma.local [hbm:s3], $0xF7A  }
0x26: {  	[smem:$0x3FA0] =	sst s1;
	(tag) =	ssettag s2;
	_ =	strace s9  }
0x27: {  	s1 =	sld [smem:$0x3FB0]  }
0x28: {  	s2 =	sld [smem:$0x3FB1]  }
0x29: {  	s4 =	sld [smem:$0x3FB3]  }
0x2a: {  	p0 =	seq.s32 s5, $0x0;
	s5 =	sld [smem:$0x3FB4]  }
0x2b: {  	s6 =	sld [smem:$0x3FB5]  }
0x2c: {  	s7 =	sld [smem:$0x3FB6]  }
0x2d: {  	s3 =	simm.s32 $0x108;
	s8 =	sld [smem:$0x3FB7]  }
0x2e: {  	s3 =	simm.s32 @!p0 $0x1082;
	s9 =	sld [smem:$0x3FB8]  }
0x2f: {  	lr =	sadd.s32 s0, s3;
	s0 =	sld [smem:$0x3FAF]  }
0x30: {  	s3 =	sld [smem:$0x3FB2]  }
0x31: {  	[smem:$0x3FBB] =	sst s10  }
0x32: {  	s10 =	sld [smem:$0x3FB9];
	_ =	sdelay $0x3  }
0x33: {  	p0 =	seq.s32 s10, $0x1;
	s10 =	sld [smem:$0x3FBB];
	_ =	sdelay $0x3  }
0x34: {  	[smem:$0x3FBB] =	sst s10  }
0x35: {  	s10 =	sld [smem:$0x3FBA];
	_ =	sdelay $0x3  }
0x36: {  	p1 =	seq.s32 s10, $0x1;
	s10 =	sld [smem:$0x3FBB];
	_ =	sdelay $0x3  }
0x37: {  	[smem:$0x3FBB] =	sst s10  }
0x38: {  	s10 =	sld [smem:$0x3FBC]  }
0x39: {  	_ = 	snop;
	(pc) =	sbr.ind lr, $3  }
0x3a: {  	_ = 	snop  }
0x3b: {  	_ = 	snop  }
0x3c: {  	p2 =	seq.s32 s10, $0x1;
	s10 =	sld [smem:$0x3FBB]  }
0x3d: {  	_ =	shalt  }
0x3e: {  	_ =	shalt  }
0x3f: {  	_ =	shalt  }
0x40: {  	_ =	shalt  }
0x41: {  	_ =	shalt  }
0x42: {  	_ =	shalt  }
0x43: {  	_ =	shalt  }
0x44: {  	_ =	shalt  }
0x45: {  	_ =	shalt  }
0x46: {  	_ =	shalt  }
0x47: {  	_ =	shalt  }
0x48: {  	_ =	shalt  }
0x49: {  	_ =	shalt  }
0x4a: {  	_ =	shalt  }
0x4b: {  	_ =	shalt  }
0x4c: {  	_ =	shalt  }
0x4d: {  	_ =	shalt  }
0x4e: {  	_ =	shalt  }
0x4f: {  	_ =	shalt  }
0x50: {  	_ =	shalt  }
0x51: {  	_ =	shalt  }
0x52: {  	_ =	shalt  }
0x53: {  	_ =	shalt  }
0x54: {  	_ =	shalt  }
0x55: {  	_ =	shalt  }
0x56: {  	_ =	shalt  }
0x57: {  	_ =	shalt  }
0x58: {  	_ =	shalt  }
0x59: {  	_ =	shalt  }
0x5a: {  	_ =	shalt  }
0x5b: {  	_ =	shalt  }
0x5c: {  	_ =	shalt  }
0x5d: {  	_ =	shalt  }
0x5e: {  	_ =	shalt  }
0x5f: {  	_ =	shalt  }
0x60: {  	_ =	shalt  }
0x61: {  	_ =	shalt  }
0x62: {  	_ =	shalt  }
0x63: {  	_ =	shalt  }
0x64: {  	_ =	shalt  }
0x65: {  	_ =	shalt  }
0x66: {  	_ =	shalt  }
0x67: {  	_ =	shalt  }
0x68: {  	_ =	shalt  }
0x69: {  	_ =	shalt  }
0x6a: {  	_ =	shalt  }
0x6b: {  	_ =	shalt  }
0x6c: {  	_ =	shalt  }
0x6d: {  	_ =	shalt  }
0x6e: {  	_ =	shalt  }
0x6f: {  	_ =	shalt  }
0x70: {  	_ =	shalt  }
0x71: {  	_ =	shalt  }
0x72: {  	_ =	shalt  }
0x73: {  	_ =	shalt  }
0x74: {  	_ =	shalt  }
0x75: {  	_ =	shalt  }
0x76: {  	_ =	shalt  }
0x77: {  	_ =	shalt  }
0x78: {  	_ =	shalt  }
0x79: {  	_ =	shalt  }
0x7a: {  	_ =	shalt  }
0x7b: {  	_ =	shalt  }
0x7c: {  	_ =	shalt  }
0x7d: {  	_ =	shalt  }
0x7e: {  	_ =	shalt  }
0x7f: {  	_ =	shalt  }
0x80: {  	_ =	shalt  }
0x81: {  	_ =	shalt  }
0x82: {  	_ =	shalt  }
0x83: {  	_ =	shalt  }
0x84: {  	_ =	shalt  }
0x85: {  	_ =	shalt  }
0x86: {  	_ =	shalt  }
0x87: {  	_ =	shalt  }
.Lfunc_end0:
.L_simem_size_0:
called_computation_lowered:
.L_overlay_start_0:
0x88: {  	s2 =	sld [smem:$0x3FD9]  }
0x89: {  	s3 =	sld [smem:$0x3FFE];
	_ =	sdelay $0x1  }
0x8a: {  	s1 =	srdreg.scid  }
0x8b: {  	s0 =	sand.u32 $0x1, s1  }
0x8c: {  	s14 =	sshll.u32 s0, $0xA;
	s2 =	sadd.s32 s3, s2  }
0x8d: {  	s2 =	sadd.s32 s2, s14  }
0x8e: {  	[smem:$0x3FC7] =	sst s2  }
0x8f: {  	_ = 	snop  }
0x90: {  	s2 =	sld [smem:$0x3FD0];
	_ =	sdelay $0x2  }
0x91: {  	s4 =	simm.s32 $0xA;
	s5 =	simm.s32 $0x10;
	s15 =	sld [smem:$0x3FC9]  }
0x92: {  	[smem:s5], [sflag:s4] =	dma.local [hbm:s2], $0x1  }
0x93: {  	_ =	swait.eq [sflag:s4], $0x1  }
0x94: {  	[sflag:s4] =	ssyncset.done $0x0  }
0x95: {  	s16 =	sld [smem:$0x10];
	[sflag:s4] =	ssyncadd.s32 $0xFFFFFFFF  }
0x96: {  	s17 =	sld [smem:$0x11];
	(tm) =	ssettm $0x1  }
0x97: {  	s18 =	sld [smem:$0x3FFB];
	_ =	sdelay $0x3  }
0x98: {  	_ =	strace s18  }
0x99: {  	s5 =	sld [smem:$0x3FFC];
	_ =	sdelay $0x3  }
0x9a: {  	_ =	strace s5  }
0x9b: {  	s5 =	sld [smem:$0x3FFD];
	_ =	sdelay $0x3  }
0x9c: {  	_ =	strace s5  }
0x9d: {  	_ =	strace $0x8FFFFFFF  }
0x9e: {  	s19 =	sld [smem:$0x3FDB];
	_ =	sdelay $0x1  }
0x9f: {  	s6 =	simm.s32 $_scs_section_size  }
0xa0: {  	s7 =	simm.s32 $_size__tile_overlayer_lowered;
	s8 =	simm.s32 $_tile_overlayer_lowered  }
0xa1: {  	s22 =	simm.s32 $0x1BFF;
	s21 =	sshll.u32 s8, $0x1;
	s5 =	sadd.s32 s6, s19  }
0xa2: {  	s9 =	simm.s32 $0x0;
	s20 =	sshll.u32 s7, $0x1;
	s7 =	sadd.s32 s21, s5  }
0xa3: {  	[timem:s9], [sflag:s22] =	dma.local [hbm:s7], s20  }
0xa4: {  	_ =	swait.ge [sflag:s22], s20  }
0xa5: {  	s6 =	ssub.s32 $0x0, s20;
	[sflag:s22] =	ssyncset.done $0x0  }
0xa6: {  	[sflag:s22] =	ssyncadd.s32 s6;
	_ =	sdelay $0x1  }
0xa7: {  	s23 =	simm.s32 $0x1B8B  }
0xa8: {  	_ =	swait.ge [sflag:s23], $0x1  }
0xa9: {  	[sflag:s23] =	ssyncset.done $0x0  }
0xaa: {  	s25 =	simm.s32 $0x1B8E;
	s24 =	sld [smem:$0x3FFE];
	[sflag:s23] =	ssyncadd.s32 $0xFFFFFFFF  }
0xab: {  	s26 =	simm.s32 $execute0_lowered;
	[smem:$0x3FD2] =	sst s25  }
0xac: {  	s7 =	sshll.u32 s26, $0x1;
	_ =	strace $0x80000046;
	[dreg:$0x1] =	wrdreg $0xFFFFFFFF  }
0xad: {  	s28 =	simm.s32 $_size_execute0_lowered;
	s5 =	sadd.s32 s5, s7;
	[dreg:$0x0] =	wrdreg $0x0  }
0xae: {  	s7 =	sshll.u32 s28, $0x1;
	[dreg:$0x2] =	wrdreg s5  }
0xaf: {  	[dreg:$0x3] =	wrdreg s7  }
0xb0: {  	[dreg:$0x4] =	wrdreg $0xC0  }
0xb1: {  	_ =	task [dreg:s9], $0x5FFFF  }
0xb2: {  	[dreg:$0x1] =	wrdreg $0xFFFFFFFF  }
0xb3: {  	[dreg:$0x0] =	wrdreg $0x60  }
0xb4: {  	[dreg:$0x2] =	wrdreg s15  }
0xb5: {  	[dreg:$0x3] =	wrdreg s16  }
0xb6: {  	[dreg:$0x4] =	wrdreg s17  }
0xb7: {  	[dreg:$0x5] =	wrdreg s24  }
0xb8: {  	[dreg:$0x6] =	wrdreg $0x81000  }
0xb9: {  	[dreg:$0x7] =	wrdreg $0x9  }
0xba: {  	_ =	task.clear_ibuf [dreg:s9], $0x8FFFF;
	_ =	strace $0x90000046  }
0xbb: {  	s29 =	simm.s32 $0x9;
	_ =	strace $0x80000048  }
0xbc: {  	_ =	swait.ge [sflag:s29], $0x1  }
0xbd: {  	[sflag:s29] =	ssyncadd.s32 $0xFFFFFFFF  }
0xbe: {  	_ =	strace $0x90000048  }
0xbf: {  	_ =	sfence  }
0xc0: {  	s30 =	sld [smem:$0x0];
	_ =	sdelay $0x2  }
0xc1: {  	s31 =	sshll.u32 s1, $0xD;
	s1 =	sshrl.u32 s1, $0x2  }
0xc2: {  	s3 =	sand.u32 $0x4000, s31;
	s1 =	sadd.s32 s1, s30  }
0xc3: {  	s0 =	sor.u32 s3, s0;
	s1 =	sshll.u32 s1, $0x11  }
0xc4: {  	s0 =	sor.u32 s1, s0  }
0xc5: {  	s0 =	sadd.s32 $0x8F2B, s0  }
0xc6: {  	[sflag:s0] =	ssyncadd.remote.s32 $0x1  }
0xc7: {  	_ =	sfence.sel $0xFFFF  }
0xc8: {  	[dreg:$0x0] =	wrdreg $0xFFFFFFFF;
	(pc) =	sbr.abs _section_cstart, $3  }
0xc9: {  	[dreg:$0x1] =	wrdreg $0xFFFFFFFF  }
0xca: {  	_ =	task.clear_ibuf [dreg:s9], $0x2FFFF;
	_ =	strace $0x9FFFFFFF  }
0xcb: {  	(tm) =	ssettm $0x7FFFFFFF  }
tec
execute0_lowered:
.L_overlay_start_1:
0x0: {  	(tag) =	ssettag $0x1  }
0x1: {  	s0 =	rddreg [dreg:$0x0]  }
0x2: {  	s4 =	rddreg [dreg:$0x1]  }
0x3: {  	s1 =	rddreg [dreg:$0x2]  }
0x4: {  	s5 =	rddreg [dreg:$0x3]  }
0x5: {  	s2 =	rddreg [dreg:$0x4]  }
0x6: {  	s6 =	srdreg.scid;
	s3 =	simm.s32 $0x0;
	s23 =	stileid.u32  }
0x7: {  	p0 =	por $0x0, $0x0;
	s7 =	sand.u32 $0x1, s6;
	s8 =	sshll.u32 s23, $0xC  }
0x8: {  	[smem:$0x7FF] =	sst s3;
	s6 =	sshll.u32 s7, $0x10;
	s9 =	sshll.u32 s7, $0xB  }
0x9: {  	_ =	strace $0x80000047;
	s7 =	ssub.s32 $0x2, s7;
	s10 =	sor.u32 s8, s6  }
0xa: {  	s6 =	sor.u32 s9, s8;
	s20 =	sshrl.u32 s7, $0x1;
	s8 =	sadd.s32 s8, s2  }
0xb: {  	s22 =	sshrl.u32 s10, $0x3;
	s24 =	sshrl.u32 s6, $0x3;
	s26 =	sshll.u32 s6, $0x4  }
0xc: {  	s10 =	sor.u32 $0x80, s6;
	s12 =	sor.u32 $0x100, s6;
	s19 =	sor.u32 $0x180, s6  }
0xd: {  	s7 =	ssub.s32 s7, s20;
	s18 =	sadd.s32 s22, s5;
	s25 =	sadd.s32 s4, s24  }
0xe: {  	s31 =	sadd.s32 s0, s26;
	s5 =	sshll.u32 s23, $0x9;
	s11 =	sshrl.u32 s10, $0x3  }
0xf: {  	s9 =	sshll.u32 s10, $0x4;
	s14 =	sshrl.u32 s12, $0x3;
	s16 =	sshll.u32 s12, $0x4  }
0x10: {  	s21 =	sshrl.u32 s19, $0x3;
	s12 =	sor.u32 $0x300, s6;
	[dreg:$0x6] =	wrdreg s25  }
0x11: {  	s10 =	sor.u32 $0x680, s6;
	[dreg:$0x7] =	wrdreg s31;
	s1 =	sadd.s32 s1, s5  }
0x12: {  	s13 =	sadd.s32 s0, s9;
	s15 =	sadd.s32 s4, s14;
	s17 =	sadd.s32 s0, s16  }
0x13: {  	s9 =	sshll.u32 s19, $0x4;
	s5 =	sor.u32 $0x280, s6;
	[dreg:$0x8] =	wrdreg s1  }
0x14: {  	s14 =	sshrl.u32 s12, $0x3;
	s16 =	sshll.u32 s12, $0x4;
	[dreg:$0xa] =	wrdreg s13  }
0x15: {  	s19 =	sor.u32 $0x380, s6;
	s12 =	sor.u32 $0x480, s6;
	[dreg:$0xb] =	wrdreg s15  }
0x16: {  	s18 =	sadd.s32 $0xE00, s18;
	s1 =	sadd.s32 s4, s11;
	[dreg:$0xc] =	wrdreg s17  }
0x17: {  	s11 =	sor.u32 $0x200, s6;
	s22 =	sadd.s32 s0, s9;
	s9 =	sshll.u32 s5, $0x4  }
0x18: {  	s15 =	sadd.s32 s4, s14;
	s17 =	sadd.s32 s0, s16;
	s20 =	sshrl.u32 s19, $0x3  }
0x19: {  	s14 =	sor.u32 $0x600, s6;
	s19 =	sshll.u32 s19, $0x4;
	[dreg:$0x9] =	wrdreg s1  }
0x1a: {  	s1 =	sadd.s32 s4, s21;
	s24 =	sshrl.u32 s11, $0x3;
	[dreg:$0xe] =	wrdreg s22  }
0x1b: {  	s26 =	sshll.u32 s11, $0x4;
	s11 =	sshrl.u32 s5, $0x3;
	[dreg:$0x13] =	wrdreg s15  }
0x1c: {  	s13 =	sadd.s32 s0, s9;
	[dreg:$0x14] =	wrdreg s17;
	s22 =	sshrl.u32 s12, $0x3  }
0x1d: {  	s15 =	sshrl.u32 s14, $0x3;
	s17 =	sor.u32 $0x700, s6;
	[dreg:$0xd] =	wrdreg s1  }
0x1e: {  	s14 =	sshll.u32 s14, $0x4;
	s25 =	sadd.s32 s4, s24;
	[dreg:$0x12] =	wrdreg s13  }
0x1f: {  	s31 =	sadd.s32 s0, s26;
	s1 =	sadd.s32 s4, s11;
	[dreg:$0xf] =	wrdreg s25  }
0x20: {  	s11 =	sor.u32 $0x400, s6;
	s24 =	sadd.s32 s4, s22;
	[dreg:$0x10] =	wrdreg s31  }
0x21: {  	s13 =	sor.u32 $0x580, s6;
	s22 =	sor.u32 $0x780, s6;
	[dreg:$0x11] =	wrdreg s1  }
0x22: {  	s1 =	sadd.s32 s4, s20;
	s21 =	sshrl.u32 s11, $0x3;
	[dreg:$0x18] =	wrdreg s24  }
0x23: {  	s25 =	sor.u32 $0x500, s6;
	s5 =	sshrl.u32 s13, $0x3;
	s24 =	sadd.s32 s4, s15  }
0x24: {  	s11 =	sshll.u32 s11, $0x4;
	s6 =	sshll.u32 s12, $0x4;
	s13 =	sshll.u32 s13, $0x4  }
0x25: {  	s15 =	sshll.u32 s10, $0x4;
	[dreg:$0x15] =	wrdreg s1;
	s1 =	sadd.s32 s4, s21  }
0x26: {  	s26 =	sshrl.u32 s25, $0x3;
	s29 =	sadd.s32 s4, s5;
	s21 =	sshrl.u32 s10, $0x3  }
0x27: {  	s5 =	sshll.u32 s23, $0x6;
	s30 =	sadd.s32 s0, s11;
	s12 =	sadd.s32 s0, s6  }
0x28: {  	s23 =	sadd.s32 s0, s14;
	s10 =	simm.s32 $0x8080;
	s11 =	simm.s32 $0x4000  }
0x29: {  	s14 =	simm.s32 $0x2;
	[dreg:$0x17] =	wrdreg s1;
	s31 =	sadd.s32 s4, s26  }
0x2a: {  	s16 =	sadd.s32 s4, s21;
	s21 =	sshrl.u32 s22, $0x3;
	s20 =	sor.u32 $0x1C03, s5  }
0x2b: {  	s5 =	sadd.s32 s0, s19;
	[dreg:$0x19] =	wrdreg s31;
	s31 =	sshrl.u32 s17, $0x3  }
0x2c: {  	[dreg:$0x1a] =	wrdreg s12;
	s9 =	sadd.s32 s4, s31;
	s31 =	smax.u32 s7, $0x1  }
0x2d: {  	s1 =	sshll.u32 s25, $0x4;
	s25 =	sadd.s32 s0, s13;
	p1 =	sne.s32 s31, $0x1  }
.Ltmp0:
0x2e: {  	s19 =	sshll.u32 s17, $0x4;
	s22 =	sshll.u32 s22, $0x4;
	(pc) =	sbr.rel @!p1 .LBB2_3-.Ltmp0, $4  }
0x2f: {  	s13 =	simm.s32 $0x8000;
	s12 =	simm.s32 $0x80;
	s26 =	sadd.s32 s4, s21  }
0x30: {  	s28 =	sadd.s32 s0, s1;
	s21 =	sadd.s32 s0, s15;
	s19 =	sadd.s32 s0, s19  }
0x31: {  	s15 =	sadd.s32 s0, s22;
	s22 =	sshrl.u32 s8, $0x3;
	s8 =	simm.s32 $0x3  }
0x32: {  	s17 =	simm.s32 $0x1;
	s1 =	rddreg [dreg:$0x6];
	s7 =	sadd.s32 $0xFFFFFFFF, s31  }
0x33: {  	s0 =	rddreg [dreg:$0x7]  }
0x34: {  	[tilespmem:s13], [sflag:$0x1] =	stream.linear.gather [hbm4b:s1+s3], $0x80, $0x38;
	[tilespmem:$0x9100] =	vst v63  }
0x35: {  	s4 =	rddreg [dreg:$0x8]  }
0x36: {  	[tilespmem:s3], [sflag:$0x1] =	stream.linear.gather [hbm4b:s0+s3], $0x4000, $0x38;
	[tilespmem:$0x9100] =	vst v63  }
0x37: {  	[spmem:s22], [sflag:s20] =	dma.local [hbm:s4], $0x200  }
0x38: {  	_ =	swait.ge [sflag:s8], $0x200  }
0x39: {  	[sflag:s8] =	ssyncset.done $0x0  }
0x3a: {  	[sflag:s8] =	ssyncadd.s32 $0xFFFFFE00  }
0x3b: {  	[bflag:$0x0] =	sbarrier.arrive $0xFFFF  }
0x3c: {  	s6 =	rddreg [dreg:$0x9]  }
0x3d: {  	[tilespmem:s10], [sflag:$0x2] =	stream.linear.gather [hbm4b:s6+s3], $0x80, $0x38;
	[tilespmem:$0x9100] =	vst v63  }
0x3e: {  	s31 =	rddreg [dreg:$0xa]  }
0x3f: {  	[tilespmem:s11], [sflag:$0x2] =	stream.linear.gather [hbm4b:s31+s3], $0x4000, $0x38;
	[tilespmem:$0x9100] =	vst v63  }
0x40: {  	_ =	swait.ge [sflag:s17], $0x80  }
0x41: {  	[sflag:s17] =	ssyncset.done $0x0  }
0x42: {  	[sflag:s17] =	ssyncadd.s32 $0xFFFFFF80  }
0x43: {  	_ =	swait.ge [sflag:s17], $0x4000  }
0x44: {  	[sflag:s17] =	ssyncset.done $0x0  }
0x45: {  	[sflag:s17] =	ssyncadd.s32 $0xFFFFC000  }
0x46: {  	[spmem:s2] =	stream.indirect.scatter.add.f32 [tilespmem:s3], [sflag:$0x3], $0x80, s13, s12, $0xb8;
	[tilespmem:$0x9100] =	vst v63  }
0x47: {  	_ =	swait.ge [sflag:s8], $0x4000  }
0x48: {  	[sflag:s8] =	ssyncset.done $0x0  }
0x49: {  	s1 =	rddreg [dreg:$0xb];
	[sflag:s8] =	ssyncadd.s32 $0xFFFFC000  }
0x4a: {  	[tilespmem:s13], [sflag:$0x1] =	stream.linear.gather [hbm4b:s1+s3], $0x80, $0x38;
	[tilespmem:$0x9100] =	vst v63  }
0x4b: {  	s4 =	rddreg [dreg:$0xc]  }
0x4c: {  	[tilespmem:s3], [sflag:$0x1] =	stream.linear.gather [hbm4b:s4+s3], $0x4000, $0x38;
	[tilespmem:$0x9100] =	vst v63  }
0x4d: {  	_ =	swait.ge [sflag:s14], $0x80  }
0x4e: {  	[sflag:s14] =	ssyncset.done $0x0  }
0x4f: {  	[sflag:s14] =	ssyncadd.s32 $0xFFFFFF80  }
0x50: {  	_ =	swait.ge [sflag:s14], $0x4000  }
0x51: {  	[sflag:s14] =	ssyncset.done $0x0  }
0x52: {  	[sflag:s14] =	ssyncadd.s32 $0xFFFFC000  }
0x53: {  	[spmem:s2] =	stream.indirect.scatter.add.f32 [tilespmem:s11], [sflag:$0x3], $0x80, s10, s12, $0xb8;
	[tilespmem:$0x9100] =	vst v63  }
0x54: {  	_ =	swait.ge [sflag:s8], $0x4000  }
0x55: {  	[sflag:s8] =	ssyncset.done $0x0  }
0x56: {  	s6 =	rddreg [dreg:$0xd];
	[sflag:s8] =	ssyncadd.s32 $0xFFFFC000  }
0x57: {  	[tilespmem:s10], [sflag:$0x2] =	stream.linear.gather [hbm4b:s6+s3], $0x80, $0x38;
	[tilespmem:$0x9100] =	vst v63  }
0x58: {  	s31 =	rddreg [dreg:$0xe]  }
0x59: {  	[tilespmem:s11], [sflag:$0x2] =	stream.linear.gather [hbm4b:s31+s3], $0x4000, $0x38;
	[tilespmem:$0x9100] =	vst v63  }
0x5a: {  	_ =	swait.ge [sflag:s17], $0x80  }
0x5b: {  	[sflag:s17] =	ssyncset.done $0x0  }
0x5c: {  	[sflag:s17] =	ssyncadd.s32 $0xFFFFFF80  }
0x5d: {  	_ =	swait.ge [sflag:s17], $0x4000  }
0x5e: {  	[sflag:s17] =	ssyncset.done $0x0  }
0x5f: {  	[sflag:s17] =	ssyncadd.s32 $0xFFFFC000  }
0x60: {  	[spmem:s2] =	stream.indirect.scatter.add.f32 [tilespmem:s3], [sflag:$0x3], $0x80, s13, s12, $0xb8;
	[tilespmem:$0x9100] =	vst v63  }
0x61: {  	_ =	swait.ge [sflag:s8], $0x4000  }
0x62: {  	[sflag:s8] =	ssyncset.done $0x0  }
0x63: {  	s1 =	rddreg [dreg:$0xf];
	[sflag:s8] =	ssyncadd.s32 $0xFFFFC000  }
0x64: {  	[tilespmem:s13], [sflag:$0x1] =	stream.linear.gather [hbm4b:s1+s3], $0x80, $0x38;
	[tilespmem:$0x9100] =	vst v63  }
0x65: {  	s4 =	rddreg [dreg:$0x10]  }
0x66: {  	[tilespmem:s3], [sflag:$0x1] =	stream.linear.gather [hbm4b:s4+s3], $0x4000, $0x38;
	[tilespmem:$0x9100] =	vst v63  }
0x67: {  	_ =	swait.ge [sflag:s14], $0x80  }
0x68: {  	[sflag:s14] =	ssyncset.done $0x0  }
0x69: {  	[sflag:s14] =	ssyncadd.s32 $0xFFFFFF80  }
0x6a: {  	_ =	swait.ge [sflag:s14], $0x4000  }
0x6b: {  	[sflag:s14] =	ssyncset.done $0x0  }
0x6c: {  	[sflag:s14] =	ssyncadd.s32 $0xFFFFC000  }
0x6d: {  	[spmem:s2] =	stream.indirect.scatter.add.f32 [tilespmem:s11], [sflag:$0x3], $0x80, s10, s12, $0xb8;
	[tilespmem:$0x9100] =	vst v63  }
0x6e: {  	_ =	swait.ge [sflag:s8], $0x4000  }
0x6f: {  	[sflag:s8] =	ssyncset.done $0x0  }
0x70: {  	s6 =	rddreg [dreg:$0x11];
	[sflag:s8] =	ssyncadd.s32 $0xFFFFC000  }
0x71: {  	[tilespmem:s10], [sflag:$0x2] =	stream.linear.gather [hbm4b:s6+s3], $0x80, $0x38;
	[tilespmem:$0x9100] =	vst v63  }
0x72: {  	s31 =	rddreg [dreg:$0x12]  }
0x73: {  	[tilespmem:s11], [sflag:$0x2] =	stream.linear.gather [hbm4b:s31+s3], $0x4000, $0x38;
	[tilespmem:$0x9100] =	vst v63  }
0x74: {  	_ =	swait.ge [sflag:s17], $0x80  }
0x75: {  	[sflag:s17] =	ssyncset.done $0x0  }
0x76: {  	[sflag:s17] =	ssyncadd.s32 $0xFFFFFF80  }
0x77: {  	_ =	swait.ge [sflag:s17], $0x4000  }
0x78: {  	[sflag:s17] =	ssyncset.done $0x0  }
0x79: {  	[sflag:s17] =	ssyncadd.s32 $0xFFFFC000  }
0x7a: {  	[spmem:s2] =	stream.indirect.scatter.add.f32 [tilespmem:s3], [sflag:$0x3], $0x80, s13, s12, $0xb8;
	[tilespmem:$0x9100] =	vst v63  }
0x7b: {  	_ =	swait.ge [sflag:s8], $0x4000  }
0x7c: {  	[sflag:s8] =	ssyncset.done $0x0  }
0x7d: {  	s4 =	rddreg [dreg:$0x13];
	[sflag:s8] =	ssyncadd.s32 $0xFFFFC000  }
0x7e: {  	[tilespmem:s13], [sflag:$0x1] =	stream.linear.gather [hbm4b:s4+s3], $0x80, $0x38;
	[tilespmem:$0x9100] =	vst v63  }
0x7f: {  	s6 =	rddreg [dreg:$0x14]  }
0x80: {  	[tilespmem:s3], [sflag:$0x1] =	stream.linear.gather [hbm4b:s6+s3], $0x4000, $0x38;
	[tilespmem:$0x9100] =	vst v63  }
0x81: {  	_ =	swait.ge [sflag:s14], $0x80  }
0x82: {  	[sflag:s14] =	ssyncset.done $0x0  }
0x83: {  	[sflag:s14] =	ssyncadd.s32 $0xFFFFFF80  }
0x84: {  	_ =	swait.ge [sflag:s14], $0x4000  }
0x85: {  	[sflag:s14] =	ssyncset.done $0x0  }
0x86: {  	[sflag:s14] =	ssyncadd.s32 $0xFFFFC000  }
0x87: {  	[spmem:s2] =	stream.indirect.scatter.add.f32 [tilespmem:s11], [sflag:$0x3], $0x80, s10, s12, $0xb8;
	[tilespmem:$0x9100] =	vst v63  }
0x88: {  	_ =	swait.ge [sflag:s8], $0x4000  }
0x89: {  	[sflag:s8] =	ssyncset.done $0x0  }
0x8a: {  	s31 =	rddreg [dreg:$0x15];
	[sflag:s8] =	ssyncadd.s32 $0xFFFFC000  }
0x8b: {  	[tilespmem:s10], [sflag:$0x2] =	stream.linear.gather [hbm4b:s31+s3], $0x80, $0x38;
	[tilespmem:$0x9100] =	vst v63  }
0x8c: {  	_ = 	snop  }
0x8d: {  	[tilespmem:s11], [sflag:$0x2] =	stream.linear.gather [hbm4b:s5+s3], $0x4000, $0x38;
	[tilespmem:$0x9100] =	vst v63  }
0x8e: {  	_ =	swait.ge [sflag:s17], $0x80  }
0x8f: {  	[sflag:s17] =	ssyncset.done $0x0  }
0x90: {  	[sflag:s17] =	ssyncadd.s32 $0xFFFFFF80  }
0x91: {  	_ =	swait.ge [sflag:s17], $0x4000  }
0x92: {  	[sflag:s17] =	ssyncset.done $0x0  }
0x93: {  	[sflag:s17] =	ssyncadd.s32 $0xFFFFC000  }
0x94: {  	[spmem:s2] =	stream.indirect.scatter.add.f32 [tilespmem:s3], [sflag:$0x3], $0x80, s13, s12, $0xb8;
	[tilespmem:$0x9100] =	vst v63  }
0x95: {  	_ =	swait.ge [sflag:s8], $0x4000  }
0x96: {  	[sflag:s8] =	ssyncset.done $0x0  }
0x97: {  	s1 =	rddreg [dreg:$0x17];
	[sflag:s8] =	ssyncadd.s32 $0xFFFFC000  }
0x98: {  	[tilespmem:s13], [sflag:$0x1] =	stream.linear.gather [hbm4b:s1+s3], $0x80, $0x38;
	[tilespmem:$0x9100] =	vst v63  }
0x99: {  	_ = 	snop  }
0x9a: {  	[tilespmem:s3], [sflag:$0x1] =	stream.linear.gather [hbm4b:s30+s3], $0x4000, $0x38;
	[tilespmem:$0x9100] =	vst v63  }
0x9b: {  	_ =	swait.ge [sflag:s14], $0x80  }
0x9c: {  	[sflag:s14] =	ssyncset.done $0x0  }
0x9d: {  	[sflag:s14] =	ssyncadd.s32 $0xFFFFFF80  }
0x9e: {  	_ =	swait.ge [sflag:s14], $0x4000  }
0x9f: {  	[sflag:s14] =	ssyncset.done $0x0  }
0xa0: {  	[sflag:s14] =	ssyncadd.s32 $0xFFFFC000  }
0xa1: {  	[spmem:s2] =	stream.indirect.scatter.add.f32 [tilespmem:s11], [sflag:$0x3], $0x80, s10, s12, $0xb8;
	[tilespmem:$0x9100] =	vst v63  }
0xa2: {  	_ =	swait.ge [sflag:s8], $0x4000  }
0xa3: {  	[sflag:s8] =	ssyncset.done $0x0  }
0xa4: {  	s4 =	rddreg [dreg:$0x18];
	[sflag:s8] =	ssyncadd.s32 $0xFFFFC000  }
0xa5: {  	[tilespmem:s10], [sflag:$0x2] =	stream.linear.gather [hbm4b:s4+s3], $0x80, $0x38;
	[tilespmem:$0x9100] =	vst v63  }
0xa6: {  	s6 =	rddreg [dreg:$0x1a]  }
0xa7: {  	[tilespmem:s11], [sflag:$0x2] =	stream.linear.gather [hbm4b:s6+s3], $0x4000, $0x38;
	[tilespmem:$0x9100] =	vst v63  }
0xa8: {  	_ =	swait.ge [sflag:s17], $0x80  }
0xa9: {  	[sflag:s17] =	ssyncset.done $0x0  }
0xaa: {  	[sflag:s17] =	ssyncadd.s32 $0xFFFFFF80  }
0xab: {  	_ =	swait.ge [sflag:s17], $0x4000  }
0xac: {  	[sflag:s17] =	ssyncset.done $0x0  }
0xad: {  	[sflag:s17] =	ssyncadd.s32 $0xFFFFC000  }
0xae: {  	[spmem:s2] =	stream.indirect.scatter.add.f32 [tilespmem:s3], [sflag:$0x3], $0x80, s13, s12, $0xb8;
	[tilespmem:$0x9100] =	vst v63  }
0xaf: {  	_ =	swait.ge [sflag:s8], $0x4000  }
0xb0: {  	[sflag:s8] =	ssyncset.done $0x0  }
0xb1: {  	s31 =	rddreg [dreg:$0x19];
	[sflag:s8] =	ssyncadd.s32 $0xFFFFC000  }
0xb2: {  	[tilespmem:s13], [sflag:$0x1] =	stream.linear.gather [hbm4b:s31+s3], $0x80, $0x38;
	[tilespmem:$0x9100] =	vst v63  }
0xb3: {  	_ = 	snop  }
0xb4: {  	[tilespmem:s3], [sflag:$0x1] =	stream.linear.gather [hbm4b:s28+s3], $0x4000, $0x38;
	[tilespmem:$0x9100] =	vst v63  }
0xb5: {  	_ =	swait.ge [sflag:s14], $0x80  }
0xb6: {  	[sflag:s14] =	ssyncset.done $0x0  }
0xb7: {  	[sflag:s14] =	ssyncadd.s32 $0xFFFFFF80  }
0xb8: {  	_ =	swait.ge [sflag:s14], $0x4000  }
0xb9: {  	[sflag:s14] =	ssyncset.done $0x0  }
0xba: {  	[sflag:s14] =	ssyncadd.s32 $0xFFFFC000  }
0xbb: {  	[spmem:s2] =	stream.indirect.scatter.add.f32 [tilespmem:s11], [sflag:$0x3], $0x80, s10, s12, $0xb8;
	[tilespmem:$0x9100] =	vst v63  }
0xbc: {  	_ =	swait.ge [sflag:s8], $0x4000  }
0xbd: {  	[sflag:s8] =	ssyncset.done $0x0  }
0xbe: {  	[sflag:s8] =	ssyncadd.s32 $0xFFFFC000  }
0xbf: {  	[tilespmem:s10], [sflag:$0x2] =	stream.linear.gather [hbm4b:s29+s3], $0x80, $0x38;
	[tilespmem:$0x9100] =	vst v63  }
0xc0: {  	_ = 	snop  }
0xc1: {  	[tilespmem:s11], [sflag:$0x2] =	stream.linear.gather [hbm4b:s25+s3], $0x4000, $0x38;
	[tilespmem:$0x9100] =	vst v63  }
0xc2: {  	_ =	swait.ge [sflag:s17], $0x80  }
0xc3: {  	[sflag:s17] =	ssyncset.done $0x0  }
0xc4: {  	[sflag:s17] =	ssyncadd.s32 $0xFFFFFF80  }
0xc5: {  	_ =	swait.ge [sflag:s17], $0x4000  }
0xc6: {  	[sflag:s17] =	ssyncset.done $0x0  }
0xc7: {  	[sflag:s17] =	ssyncadd.s32 $0xFFFFC000  }
0xc8: {  	[spmem:s2] =	stream.indirect.scatter.add.f32 [tilespmem:s3], [sflag:$0x3], $0x80, s13, s12, $0xb8;
	[tilespmem:$0x9100] =	vst v63  }
0xc9: {  	_ =	swait.ge [sflag:s8], $0x4000  }
0xca: {  	[sflag:s8] =	ssyncset.done $0x0  }
0xcb: {  	[sflag:s8] =	ssyncadd.s32 $0xFFFFC000  }
0xcc: {  	[tilespmem:s13], [sflag:$0x1] =	stream.linear.gather [hbm4b:s24+s3], $0x80, $0x38;
	[tilespmem:$0x9100] =	vst v63  }
0xcd: {  	_ = 	snop  }
0xce: {  	[tilespmem:s3], [sflag:$0x1] =	stream.linear.gather [hbm4b:s23+s3], $0x4000, $0x38;
	[tilespmem:$0x9100] =	vst v63  }
0xcf: {  	_ =	swait.ge [sflag:s14], $0x80  }
0xd0: {  	[sflag:s14] =	ssyncset.done $0x0  }
0xd1: {  	[sflag:s14] =	ssyncadd.s32 $0xFFFFFF80  }
0xd2: {  	_ =	swait.ge [sflag:s14], $0x4000  }
0xd3: {  	[sflag:s14] =	ssyncset.done $0x0  }
0xd4: {  	[sflag:s14] =	ssyncadd.s32 $0xFFFFC000  }
0xd5: {  	[spmem:s2] =	stream.indirect.scatter.add.f32 [tilespmem:s11], [sflag:$0x3], $0x80, s10, s12, $0xb8;
	[tilespmem:$0x9100] =	vst v63  }
0xd6: {  	_ =	swait.ge [sflag:s8], $0x4000  }
0xd7: {  	[sflag:s8] =	ssyncset.done $0x0  }
0xd8: {  	[sflag:s8] =	ssyncadd.s32 $0xFFFFC000  }
0xd9: {  	[tilespmem:s10], [sflag:$0x2] =	stream.linear.gather [hbm4b:s16+s3], $0x80, $0x38;
	[tilespmem:$0x9100] =	vst v63  }
0xda: {  	_ = 	snop  }
0xdb: {  	[tilespmem:s11], [sflag:$0x2] =	stream.linear.gather [hbm4b:s21+s3], $0x4000, $0x38;
	[tilespmem:$0x9100] =	vst v63  }
0xdc: {  	_ =	swait.ge [sflag:s17], $0x80  }
0xdd: {  	[sflag:s17] =	ssyncset.done $0x0  }
0xde: {  	[sflag:s17] =	ssyncadd.s32 $0xFFFFFF80  }
0xdf: {  	_ =	swait.ge [sflag:s17], $0x4000  }
0xe0: {  	[sflag:s17] =	ssyncset.done $0x0  }
0xe1: {  	[sflag:s17] =	ssyncadd.s32 $0xFFFFC000  }
0xe2: {  	[spmem:s2] =	stream.indirect.scatter.add.f32 [tilespmem:s3], [sflag:$0x3], $0x80, s13, s12, $0xb8;
	[tilespmem:$0x9100] =	vst v63  }
0xe3: {  	_ =	swait.ge [sflag:s8], $0x4000  }
0xe4: {  	[sflag:s8] =	ssyncset.done $0x0  }
0xe5: {  	[sflag:s8] =	ssyncadd.s32 $0xFFFFC000  }
0xe6: {  	[tilespmem:s13], [sflag:$0x1] =	stream.linear.gather [hbm4b:s9+s3], $0x80, $0x38;
	[tilespmem:$0x9100] =	vst v63  }
0xe7: {  	_ = 	snop  }
0xe8: {  	[tilespmem:s3], [sflag:$0x1] =	stream.linear.gather [hbm4b:s19+s3], $0x4000, $0x38;
	[tilespmem:$0x9100] =	vst v63  }
0xe9: {  	_ =	swait.ge [sflag:s14], $0x80  }
0xea: {  	[sflag:s14] =	ssyncset.done $0x0  }
0xeb: {  	[sflag:s14] =	ssyncadd.s32 $0xFFFFFF80  }
0xec: {  	_ =	swait.ge [sflag:s14], $0x4000  }
0xed: {  	[sflag:s14] =	ssyncset.done $0x0  }
0xee: {  	[sflag:s14] =	ssyncadd.s32 $0xFFFFC000  }
0xef: {  	[spmem:s2] =	stream.indirect.scatter.add.f32 [tilespmem:s11], [sflag:$0x3], $0x80, s10, s12, $0xb8;
	[tilespmem:$0x9100] =	vst v63  }
0xf0: {  	_ =	swait.ge [sflag:s8], $0x4000  }
0xf1: {  	[sflag:s8] =	ssyncset.done $0x0  }
0xf2: {  	[sflag:s8] =	ssyncadd.s32 $0xFFFFC000  }
0xf3: {  	[tilespmem:s10], [sflag:$0x2] =	stream.linear.gather [hbm4b:s26+s3], $0x80, $0x38;
	[tilespmem:$0x9100] =	vst v63  }
0xf4: {  	_ = 	snop  }
0xf5: {  	[tilespmem:s11], [sflag:$0x2] =	stream.linear.gather [hbm4b:s15+s3], $0x4000, $0x38;
	[tilespmem:$0x9100] =	vst v63  }
0xf6: {  	_ =	swait.ge [sflag:s17], $0x80  }
0xf7: {  	[sflag:s17] =	ssyncset.done $0x0  }
0xf8: {  	[sflag:s17] =	ssyncadd.s32 $0xFFFFFF80  }
0xf9: {  	_ =	swait.ge [sflag:s17], $0x4000  }
0xfa: {  	[sflag:s17] =	ssyncset.done $0x0  }
0xfb: {  	[sflag:s17] =	ssyncadd.s32 $0xFFFFC000  }
0xfc: {  	[spmem:s2] =	stream.indirect.scatter.add.f32 [tilespmem:s3], [sflag:$0x3], $0x80, s13, s12, $0xb8;
	[tilespmem:$0x9100] =	vst v63  }
0xfd: {  	_ =	swait.ge [sflag:s8], $0x4000  }
0xfe: {  	[sflag:s8] =	ssyncset.done $0x0  }
0xff: {  	[sflag:s8] =	ssyncadd.s32 $0xFFFFC000  }
0x100: {  	_ =	swait.ge [sflag:s14], $0x80  }
0x101: {  	[sflag:s14] =	ssyncset.done $0x0  }
0x102: {  	[sflag:s14] =	ssyncadd.s32 $0xFFFFFF80  }
0x103: {  	_ =	swait.ge [sflag:s14], $0x4000  }
0x104: {  	[sflag:s14] =	ssyncset.done $0x0  }
0x105: {  	[sflag:s14] =	ssyncadd.s32 $0xFFFFC000  }
0x106: {  	[spmem:s2] =	stream.indirect.scatter.add.f32 [tilespmem:s11], [sflag:$0x3], $0x80, s10, s12, $0xb8;
	[tilespmem:$0x9100] =	vst v63  }
0x107: {  	_ =	swait.ge [sflag:s8], $0x4000  }
0x108: {  	p1 =	sne.s32 s7, $0x1;
	[sflag:s8] =	ssyncset.done $0x0  }
.Ltmp1:
0x109: {  	[sflag:s8] =	ssyncadd.s32 $0xFFFFC000;
	(pc) =	sbr.rel @!p1 .LBB2_3-.Ltmp1, $4  }
0x10a: {  	[bflag:$0x0] =	sbarrier.arrive $0xFFFF  }
0x10b: {  	[hbm:s18], [sflag:s20] =	dma.local [spmem:s22], $0x200  }
0x10c: {  	p0 =	por $0x1, $0x1;
	_ =	swait.ge [sflag:s8], $0x200;
	[dreg:$0x16] =	wrdreg s5  }
0x10d: {  	s4 =	sadd.s32 $0xFFFFFFFF, s7;
	s1 =	rddreg [dreg:$0x6];
	[sflag:s8] =	ssyncset.done $0x0  }
.LBB2_2:
0x10e: {  	s0 =	simm.s32 $0x8000;
	s11 =	smov.u32 s30  }
0x10f: {  	s30 =	smov.u32 s28;
	s28 =	smov.u32 s25;
	s25 =	smov.u32 s23  }
0x110: {  	s23 =	smov.u32 s21;
	s21 =	smov.u32 s19;
	s19 =	smov.u32 s16  }
0x111: {  	s16 =	smov.u32 s9;
	s9 =	smov.u32 s18;
	s5 =	rddreg [dreg:$0x8]  }
0x112: {  	[sflag:s8] =	ssyncadd.s32 $0xFFFFFE00;
	s10 =	smov.u32 s2;
	s6 =	rddreg [dreg:$0x7]  }
0x113: {  	s7 =	smov.u32 s20;
	s20 =	smov.u32 s24;
	s24 =	rddreg [dreg:$0x19]  }
0x114: {  	s18 =	smov.u32 s15;
	s15 =	smov.u32 s26;
	s26 =	rddreg [dreg:$0x18]  }
0x115: {  	[tilespmem:s0], [sflag:$0x1] =	stream.linear.gather [hbm4b:s1+s3], $0x80, $0x38;
	[tilespmem:$0x9100] =	vst v63  }
0x116: {  	s2 =	smov.u32 s22;
	s22 =	smov.u32 s29;
	s29 =	rddreg [dreg:$0x17]  }
0x117: {  	[tilespmem:s3], [sflag:$0x1] =	stream.linear.gather [hbm4b:s6+s3], $0x4000, $0x38;
	[tilespmem:$0x9100] =	vst v63  }
0x118: {  	s31 =	rddreg [dreg:$0x1a];
	s6 =	smov.u32 s2  }
0x119: {  	[spmem:s6], [sflag:s7] =	dma.local [hbm:s5], $0x200  }
0x11a: {  	_ =	swait.ge [sflag:s8], $0x200  }
0x11b: {  	[sflag:s8] =	ssyncset.done $0x0  }
0x11c: {  	[sflag:s8] =	ssyncadd.s32 $0xFFFFFE00  }
0x11d: {  	[bflag:$0x0] =	sbarrier.arrive $0xFFFF  }
0x11e: {  	s2 =	smov.u32 s10;
	s10 =	simm.s32 $0x8080;
	s1 =	rddreg [dreg:$0x9]  }
0x11f: {  	[tilespmem:s10], [sflag:$0x2] =	stream.linear.gather [hbm4b:s1+s3], $0x80, $0x38;
	[tilespmem:$0x9100] =	vst v63  }
0x120: {  	s12 =	simm.s32 $0x4000;
	s5 =	rddreg [dreg:$0xa]  }
0x121: {  	[tilespmem:s12], [sflag:$0x2] =	stream.linear.gather [hbm4b:s5+s3], $0x4000, $0x38;
	[tilespmem:$0x9100] =	vst v63  }
0x122: {  	_ =	swait.ge [sflag:s17], $0x80  }
0x123: {  	[sflag:s17] =	ssyncset.done $0x0  }
0x124: {  	[sflag:s17] =	ssyncadd.s32 $0xFFFFFF80  }
0x125: {  	_ =	swait.ge [sflag:s17], $0x4000  }
0x126: {  	[sflag:s17] =	ssyncset.done $0x0  }
0x127: {  	s13 =	simm.s32 $0x80;
	[sflag:s17] =	ssyncadd.s32 $0xFFFFC000  }
0x128: {  	[spmem:s2] =	stream.indirect.scatter.add.f32 [tilespmem:s3], [sflag:$0x3], $0x80, s0, s13, $0xb8;
	[tilespmem:$0x9100] =	vst v63  }
0x129: {  	_ =	swait.ge [sflag:s8], $0x4000  }
0x12a: {  	[sflag:s8] =	ssyncset.done $0x0  }
0x12b: {  	s1 =	rddreg [dreg:$0xb];
	[sflag:s8] =	ssyncadd.s32 $0xFFFFC000  }
0x12c: {  	[tilespmem:s0], [sflag:$0x1] =	stream.linear.gather [hbm4b:s1+s3], $0x80, $0x38;
	[tilespmem:$0x9100] =	vst v63  }
0x12d: {  	s5 =	rddreg [dreg:$0xc]  }
0x12e: {  	[tilespmem:s3], [sflag:$0x1] =	stream.linear.gather [hbm4b:s5+s3], $0x4000, $0x38;
	[tilespmem:$0x9100] =	vst v63  }
0x12f: {  	_ =	swait.ge [sflag:s14], $0x80  }
0x130: {  	[sflag:s14] =	ssyncset.done $0x0  }
0x131: {  	[sflag:s14] =	ssyncadd.s32 $0xFFFFFF80  }
0x132: {  	_ =	swait.ge [sflag:s14], $0x4000  }
0x133: {  	[sflag:s14] =	ssyncset.done $0x0  }
0x134: {  	[sflag:s14] =	ssyncadd.s32 $0xFFFFC000  }
0x135: {  	[spmem:s2] =	stream.indirect.scatter.add.f32 [tilespmem:s12], [sflag:$0x3], $0x80, s10, s13, $0xb8;
	[tilespmem:$0x9100] =	vst v63  }
0x136: {  	_ =	swait.ge [sflag:s8], $0x4000  }
0x137: {  	[sflag:s8] =	ssyncset.done $0x0  }
0x138: {  	s1 =	rddreg [dreg:$0xd];
	[sflag:s8] =	ssyncadd.s32 $0xFFFFC000  }
0x139: {  	[tilespmem:s10], [sflag:$0x2] =	stream.linear.gather [hbm4b:s1+s3], $0x80, $0x38;
	[tilespmem:$0x9100] =	vst v63  }
0x13a: {  	s5 =	rddreg [dreg:$0xe]  }
0x13b: {  	[tilespmem:s12], [sflag:$0x2] =	stream.linear.gather [hbm4b:s5+s3], $0x4000, $0x38;
	[tilespmem:$0x9100] =	vst v63  }
0x13c: {  	_ =	swait.ge [sflag:s17], $0x80  }
0x13d: {  	[sflag:s17] =	ssyncset.done $0x0  }
0x13e: {  	[sflag:s17] =	ssyncadd.s32 $0xFFFFFF80  }
0x13f: {  	_ =	swait.ge [sflag:s17], $0x4000  }
0x140: {  	[sflag:s17] =	ssyncset.done $0x0  }
0x141: {  	[sflag:s17] =	ssyncadd.s32 $0xFFFFC000  }
0x142: {  	[spmem:s2] =	stream.indirect.scatter.add.f32 [tilespmem:s3], [sflag:$0x3], $0x80, s0, s13, $0xb8;
	[tilespmem:$0x9100] =	vst v63  }
0x143: {  	_ =	swait.ge [sflag:s8], $0x4000  }
0x144: {  	[sflag:s8] =	ssyncset.done $0x0  }
0x145: {  	s1 =	rddreg [dreg:$0xf];
	[sflag:s8] =	ssyncadd.s32 $0xFFFFC000  }
0x146: {  	[tilespmem:s0], [sflag:$0x1] =	stream.linear.gather [hbm4b:s1+s3], $0x80, $0x38;
	[tilespmem:$0x9100] =	vst v63  }
0x147: {  	s5 =	rddreg [dreg:$0x10]  }
0x148: {  	[tilespmem:s3], [sflag:$0x1] =	stream.linear.gather [hbm4b:s5+s3], $0x4000, $0x38;
	[tilespmem:$0x9100] =	vst v63  }
0x149: {  	_ =	swait.ge [sflag:s14], $0x80  }
0x14a: {  	[sflag:s14] =	ssyncset.done $0x0  }
0x14b: {  	[sflag:s14] =	ssyncadd.s32 $0xFFFFFF80  }
0x14c: {  	_ =	swait.ge [sflag:s14], $0x4000  }
0x14d: {  	[sflag:s14] =	ssyncset.done $0x0  }
0x14e: {  	[sflag:s14] =	ssyncadd.s32 $0xFFFFC000  }
0x14f: {  	[spmem:s2] =	stream.indirect.scatter.add.f32 [tilespmem:s12], [sflag:$0x3], $0x80, s10, s13, $0xb8;
	[tilespmem:$0x9100] =	vst v63  }
0x150: {  	_ =	swait.ge [sflag:s8], $0x4000  }
0x151: {  	[sflag:s8] =	ssyncset.done $0x0  }
0x152: {  	s5 =	rddreg [dreg:$0x11];
	[sflag:s8] =	ssyncadd.s32 $0xFFFFC000  }
0x153: {  	[tilespmem:s10], [sflag:$0x2] =	stream.linear.gather [hbm4b:s5+s3], $0x80, $0x38;
	[tilespmem:$0x9100] =	vst v63  }
0x154: {  	s0 =	rddreg [dreg:$0x12]  }
0x155: {  	[tilespmem:s12], [sflag:$0x2] =	stream.linear.gather [hbm4b:s0+s3], $0x4000, $0x38;
	[tilespmem:$0x9100] =	vst v63  }
0x156: {  	_ =	swait.ge [sflag:s17], $0x80  }
0x157: {  	[sflag:s17] =	ssyncset.done $0x0  }
0x158: {  	[sflag:s17] =	ssyncadd.s32 $0xFFFFFF80  }
0x159: {  	_ =	swait.ge [sflag:s17], $0x4000  }
0x15a: {  	[sflag:s17] =	ssyncset.done $0x0  }
0x15b: {  	s13 =	simm.s32 $0x8000;
	s12 =	simm.s32 $0x80;
	[sflag:s17] =	ssyncadd.s32 $0xFFFFC000  }
0x15c: {  	[spmem:s2] =	stream.indirect.scatter.add.f32 [tilespmem:s3], [sflag:$0x3], $0x80, s13, s12, $0xb8;
	[tilespmem:$0x9100] =	vst v63  }
0x15d: {  	_ =	swait.ge [sflag:s8], $0x4000  }
0x15e: {  	[sflag:s8] =	ssyncset.done $0x0  }
0x15f: {  	s5 =	rddreg [dreg:$0x13];
	[sflag:s8] =	ssyncadd.s32 $0xFFFFC000  }
0x160: {  	[tilespmem:s13], [sflag:$0x1] =	stream.linear.gather [hbm4b:s5+s3], $0x80, $0x38;
	[tilespmem:$0x9100] =	vst v63  }
0x161: {  	s0 =	rddreg [dreg:$0x14]  }
0x162: {  	[tilespmem:s3], [sflag:$0x1] =	stream.linear.gather [hbm4b:s0+s3], $0x4000, $0x38;
	[tilespmem:$0x9100] =	vst v63  }
0x163: {  	s5 =	rddreg [dreg:$0x16];
	_ =	swait.ge [sflag:s14], $0x80  }
0x164: {  	s0 =	smov.u32 s9;
	s9 =	smov.u32 s16;
	[sflag:s14] =	ssyncset.done $0x0  }
0x165: {  	s16 =	smov.u32 s19;
	s19 =	smov.u32 s21;
	[sflag:s14] =	ssyncadd.s32 $0xFFFFFF80  }
0x166: {  	s21 =	smov.u32 s23;
	s23 =	smov.u32 s25;
	_ =	swait.ge [sflag:s14], $0x4000  }
0x167: {  	s25 =	smov.u32 s28;
	s28 =	smov.u32 s30;
	[sflag:s14] =	ssyncset.done $0x0  }
0x168: {  	s30 =	smov.u32 s11;
	s11 =	simm.s32 $0x4000;
	[sflag:s14] =	ssyncadd.s32 $0xFFFFC000  }
0x169: {  	[spmem:s2] =	stream.indirect.scatter.add.f32 [tilespmem:s11], [sflag:$0x3], $0x80, s10, s12, $0xb8;
	[tilespmem:$0x9100] =	vst v63  }
0x16a: {  	_ =	swait.ge [sflag:s8], $0x4000  }
0x16b: {  	[sflag:s8] =	ssyncset.done $0x0  }
0x16c: {  	s1 =	rddreg [dreg:$0x15];
	[sflag:s8] =	ssyncadd.s32 $0xFFFFC000  }
0x16d: {  	[tilespmem:s10], [sflag:$0x2] =	stream.linear.gather [hbm4b:s1+s3], $0x80, $0x38;
	[tilespmem:$0x9100] =	vst v63  }
0x16e: {  	_ = 	snop  }
0x16f: {  	[tilespmem:s11], [sflag:$0x2] =	stream.linear.gather [hbm4b:s5+s3], $0x4000, $0x38;
	[tilespmem:$0x9100] =	vst v63  }
0x170: {  	_ =	swait.ge [sflag:s17], $0x80  }
0x171: {  	[sflag:s17] =	ssyncset.done $0x0  }
0x172: {  	[sflag:s17] =	ssyncadd.s32 $0xFFFFFF80  }
0x173: {  	_ =	swait.ge [sflag:s17], $0x4000  }
0x174: {  	[sflag:s17] =	ssyncset.done $0x0  }
0x175: {  	[sflag:s17] =	ssyncadd.s32 $0xFFFFC000  }
0x176: {  	[spmem:s2] =	stream.indirect.scatter.add.f32 [tilespmem:s3], [sflag:$0x3], $0x80, s13, s12, $0xb8;
	[tilespmem:$0x9100] =	vst v63  }
0x177: {  	_ =	swait.ge [sflag:s8], $0x4000  }
0x178: {  	[sflag:s8] =	ssyncset.done $0x0  }
0x179: {  	[sflag:s8] =	ssyncadd.s32 $0xFFFFC000  }
0x17a: {  	[tilespmem:s13], [sflag:$0x1] =	stream.linear.gather [hbm4b:s29+s3], $0x80, $0x38;
	[tilespmem:$0x9100] =	vst v63  }
0x17b: {  	_ = 	snop  }
0x17c: {  	[tilespmem:s3], [sflag:$0x1] =	stream.linear.gather [hbm4b:s30+s3], $0x4000, $0x38;
	[tilespmem:$0x9100] =	vst v63  }
0x17d: {  	_ =	swait.ge [sflag:s14], $0x80  }
0x17e: {  	[sflag:s14] =	ssyncset.done $0x0  }
0x17f: {  	[sflag:s14] =	ssyncadd.s32 $0xFFFFFF80  }
0x180: {  	_ =	swait.ge [sflag:s14], $0x4000  }
0x181: {  	[sflag:s14] =	ssyncset.done $0x0  }
0x182: {  	[sflag:s14] =	ssyncadd.s32 $0xFFFFC000  }
0x183: {  	[spmem:s2] =	stream.indirect.scatter.add.f32 [tilespmem:s11], [sflag:$0x3], $0x80, s10, s12, $0xb8;
	[tilespmem:$0x9100] =	vst v63  }
0x184: {  	_ =	swait.ge [sflag:s8], $0x4000  }
0x185: {  	[sflag:s8] =	ssyncset.done $0x0  }
0x186: {  	[sflag:s8] =	ssyncadd.s32 $0xFFFFC000  }
0x187: {  	[tilespmem:s10], [sflag:$0x2] =	stream.linear.gather [hbm4b:s26+s3], $0x80, $0x38;
	[tilespmem:$0x9100] =	vst v63  }
0x188: {  	_ = 	snop  }
0x189: {  	[tilespmem:s11], [sflag:$0x2] =	stream.linear.gather [hbm4b:s31+s3], $0x4000, $0x38;
	[tilespmem:$0x9100] =	vst v63  }
0x18a: {  	_ =	swait.ge [sflag:s17], $0x80  }
0x18b: {  	[sflag:s17] =	ssyncset.done $0x0  }
0x18c: {  	[sflag:s17] =	ssyncadd.s32 $0xFFFFFF80  }
0x18d: {  	_ =	swait.ge [sflag:s17], $0x4000  }
0x18e: {  	[sflag:s17] =	ssyncset.done $0x0  }
0x18f: {  	[sflag:s17] =	ssyncadd.s32 $0xFFFFC000  }
0x190: {  	[spmem:s2] =	stream.indirect.scatter.add.f32 [tilespmem:s3], [sflag:$0x3], $0x80, s13, s12, $0xb8;
	[tilespmem:$0x9100] =	vst v63  }
0x191: {  	_ =	swait.ge [sflag:s8], $0x4000  }
0x192: {  	[sflag:s8] =	ssyncset.done $0x0  }
0x193: {  	[sflag:s8] =	ssyncadd.s32 $0xFFFFC000  }
0x194: {  	[tilespmem:s13], [sflag:$0x1] =	stream.linear.gather [hbm4b:s24+s3], $0x80, $0x38;
	[tilespmem:$0x9100] =	vst v63  }
0x195: {  	_ = 	snop  }
0x196: {  	[tilespmem:s3], [sflag:$0x1] =	stream.linear.gather [hbm4b:s28+s3], $0x4000, $0x38;
	[tilespmem:$0x9100] =	vst v63  }
0x197: {  	_ =	swait.ge [sflag:s14], $0x80  }
0x198: {  	[sflag:s14] =	ssyncset.done $0x0  }
0x199: {  	[sflag:s14] =	ssyncadd.s32 $0xFFFFFF80  }
0x19a: {  	_ =	swait.ge [sflag:s14], $0x4000  }
0x19b: {  	[sflag:s14] =	ssyncset.done $0x0  }
0x19c: {  	[sflag:s14] =	ssyncadd.s32 $0xFFFFC000  }
0x19d: {  	[spmem:s2] =	stream.indirect.scatter.add.f32 [tilespmem:s11], [sflag:$0x3], $0x80, s10, s12, $0xb8;
	[tilespmem:$0x9100] =	vst v63  }
0x19e: {  	_ =	swait.ge [sflag:s8], $0x4000  }
0x19f: {  	[sflag:s8] =	ssyncset.done $0x0  }
0x1a0: {  	[sflag:s8] =	ssyncadd.s32 $0xFFFFC000  }
0x1a1: {  	[tilespmem:s10], [sflag:$0x2] =	stream.linear.gather [hbm4b:s22+s3], $0x80, $0x38;
	[tilespmem:$0x9100] =	vst v63  }
0x1a2: {  	_ = 	snop  }
0x1a3: {  	[tilespmem:s11], [sflag:$0x2] =	stream.linear.gather [hbm4b:s25+s3], $0x4000, $0x38;
	[tilespmem:$0x9100] =	vst v63  }
0x1a4: {  	_ =	swait.ge [sflag:s17], $0x80  }
0x1a5: {  	[sflag:s17] =	ssyncset.done $0x0  }
0x1a6: {  	[sflag:s17] =	ssyncadd.s32 $0xFFFFFF80  }
0x1a7: {  	_ =	swait.ge [sflag:s17], $0x4000  }
0x1a8: {  	[sflag:s17] =	ssyncset.done $0x0  }
0x1a9: {  	[sflag:s17] =	ssyncadd.s32 $0xFFFFC000  }
0x1aa: {  	[spmem:s2] =	stream.indirect.scatter.add.f32 [tilespmem:s3], [sflag:$0x3], $0x80, s13, s12, $0xb8;
	[tilespmem:$0x9100] =	vst v63  }
0x1ab: {  	_ =	swait.ge [sflag:s8], $0x4000  }
0x1ac: {  	[sflag:s8] =	ssyncset.done $0x0  }
0x1ad: {  	[sflag:s8] =	ssyncadd.s32 $0xFFFFC000  }
0x1ae: {  	[tilespmem:s13], [sflag:$0x1] =	stream.linear.gather [hbm4b:s20+s3], $0x80, $0x38;
	[tilespmem:$0x9100] =	vst v63  }
0x1af: {  	_ = 	snop  }
0x1b0: {  	[tilespmem:s3], [sflag:$0x1] =	stream.linear.gather [hbm4b:s23+s3], $0x4000, $0x38;
	[tilespmem:$0x9100] =	vst v63  }
0x1b1: {  	_ =	swait.ge [sflag:s14], $0x80  }
0x1b2: {  	[sflag:s14] =	ssyncset.done $0x0  }
0x1b3: {  	[sflag:s14] =	ssyncadd.s32 $0xFFFFFF80  }
0x1b4: {  	_ =	swait.ge [sflag:s14], $0x4000  }
0x1b5: {  	[sflag:s14] =	ssyncset.done $0x0  }
0x1b6: {  	[sflag:s14] =	ssyncadd.s32 $0xFFFFC000  }
0x1b7: {  	[spmem:s2] =	stream.indirect.scatter.add.f32 [tilespmem:s11], [sflag:$0x3], $0x80, s10, s12, $0xb8;
	[tilespmem:$0x9100] =	vst v63  }
0x1b8: {  	_ =	swait.ge [sflag:s8], $0x4000  }
0x1b9: {  	[sflag:s8] =	ssyncset.done $0x0  }
0x1ba: {  	[sflag:s8] =	ssyncadd.s32 $0xFFFFC000  }
0x1bb: {  	[tilespmem:s10], [sflag:$0x2] =	stream.linear.gather [hbm4b:s16+s3], $0x80, $0x38;
	[tilespmem:$0x9100] =	vst v63  }
0x1bc: {  	_ = 	snop  }
0x1bd: {  	[tilespmem:s11], [sflag:$0x2] =	stream.linear.gather [hbm4b:s21+s3], $0x4000, $0x38;
	[tilespmem:$0x9100] =	vst v63  }
0x1be: {  	_ =	swait.ge [sflag:s17], $0x80  }
0x1bf: {  	[sflag:s17] =	ssyncset.done $0x0  }
0x1c0: {  	[sflag:s17] =	ssyncadd.s32 $0xFFFFFF80  }
0x1c1: {  	_ =	swait.ge [sflag:s17], $0x4000  }
0x1c2: {  	[sflag:s17] =	ssyncset.done $0x0  }
0x1c3: {  	[sflag:s17] =	ssyncadd.s32 $0xFFFFC000  }
0x1c4: {  	[spmem:s2] =	stream.indirect.scatter.add.f32 [tilespmem:s3], [sflag:$0x3], $0x80, s13, s12, $0xb8;
	[tilespmem:$0x9100] =	vst v63  }
0x1c5: {  	_ =	swait.ge [sflag:s8], $0x4000  }
0x1c6: {  	[sflag:s8] =	ssyncset.done $0x0  }
0x1c7: {  	[sflag:s8] =	ssyncadd.s32 $0xFFFFC000  }
0x1c8: {  	[tilespmem:s13], [sflag:$0x1] =	stream.linear.gather [hbm4b:s9+s3], $0x80, $0x38;
	[tilespmem:$0x9100] =	vst v63  }
0x1c9: {  	_ = 	snop  }
0x1ca: {  	[tilespmem:s3], [sflag:$0x1] =	stream.linear.gather [hbm4b:s19+s3], $0x4000, $0x38;
	[tilespmem:$0x9100] =	vst v63  }
0x1cb: {  	_ =	swait.ge [sflag:s14], $0x80  }
0x1cc: {  	[sflag:s14] =	ssyncset.done $0x0  }
0x1cd: {  	[sflag:s14] =	ssyncadd.s32 $0xFFFFFF80  }
0x1ce: {  	_ =	swait.ge [sflag:s14], $0x4000  }
0x1cf: {  	[sflag:s14] =	ssyncset.done $0x0  }
0x1d0: {  	[sflag:s14] =	ssyncadd.s32 $0xFFFFC000  }
0x1d1: {  	[spmem:s2] =	stream.indirect.scatter.add.f32 [tilespmem:s11], [sflag:$0x3], $0x80, s10, s12, $0xb8;
	[tilespmem:$0x9100] =	vst v63  }
0x1d2: {  	_ =	swait.ge [sflag:s8], $0x4000  }
0x1d3: {  	[sflag:s8] =	ssyncset.done $0x0  }
0x1d4: {  	[sflag:s8] =	ssyncadd.s32 $0xFFFFC000  }
0x1d5: {  	[tilespmem:s10], [sflag:$0x2] =	stream.linear.gather [hbm4b:s15+s3], $0x80, $0x38;
	[tilespmem:$0x9100] =	vst v63  }
0x1d6: {  	_ = 	snop  }
0x1d7: {  	[tilespmem:s11], [sflag:$0x2] =	stream.linear.gather [hbm4b:s18+s3], $0x4000, $0x38;
	[tilespmem:$0x9100] =	vst v63  }
0x1d8: {  	_ =	swait.ge [sflag:s17], $0x80  }
0x1d9: {  	[sflag:s17] =	ssyncset.done $0x0  }
0x1da: {  	[sflag:s17] =	ssyncadd.s32 $0xFFFFFF80  }
0x1db: {  	_ =	swait.ge [sflag:s17], $0x4000  }
0x1dc: {  	[sflag:s17] =	ssyncset.done $0x0  }
0x1dd: {  	[sflag:s17] =	ssyncadd.s32 $0xFFFFC000  }
0x1de: {  	[spmem:s2] =	stream.indirect.scatter.add.f32 [tilespmem:s3], [sflag:$0x3], $0x80, s13, s12, $0xb8;
	[tilespmem:$0x9100] =	vst v63  }
0x1df: {  	_ =	swait.ge [sflag:s8], $0x4000  }
0x1e0: {  	[sflag:s8] =	ssyncset.done $0x0  }
0x1e1: {  	[sflag:s8] =	ssyncadd.s32 $0xFFFFC000  }
0x1e2: {  	_ =	swait.ge [sflag:s14], $0x80  }
0x1e3: {  	[sflag:s14] =	ssyncset.done $0x0  }
0x1e4: {  	[sflag:s14] =	ssyncadd.s32 $0xFFFFFF80  }
0x1e5: {  	_ =	swait.ge [sflag:s14], $0x4000  }
0x1e6: {  	[sflag:s14] =	ssyncset.done $0x0  }
0x1e7: {  	[sflag:s14] =	ssyncadd.s32 $0xFFFFC000  }
0x1e8: {  	[spmem:s2] =	stream.indirect.scatter.add.f32 [tilespmem:s11], [sflag:$0x3], $0x80, s10, s12, $0xb8;
	[tilespmem:$0x9100] =	vst v63  }
0x1e9: {  	p1 =	sne.s32 s4, $0x1;
	_ =	swait.ge [sflag:s8], $0x4000  }
0x1ea: {  	s4 =	sadd.s32 $0xFFFFFFFF, s4;
	s29 =	smov.u32 s22;
	[sflag:s8] =	ssyncset.done $0x0  }
.Ltmp2:
0x1eb: {  	s26 =	smov.u32 s15;
	[sflag:s8] =	ssyncadd.s32 $0xFFFFC000;
	(pc) =	sbr.rel @p1 .LBB2_2-.Ltmp2, $4  }
0x1ec: {  	s24 =	smov.u32 s20;
	s22 =	smov.u32 s6;
	[bflag:$0x0] =	sbarrier.arrive $0xFFFF  }
0x1ed: {  	[hbm:s0], [sflag:s7] =	dma.local [spmem:s6], $0x200  }
0x1ee: {  	s20 =	smov.u32 s7;
	s15 =	smov.u32 s18;
	_ =	swait.ge [sflag:s8], $0x200  }
0x1ef: {  	s18 =	smov.u32 s0;
	s1 =	rddreg [dreg:$0x6];
	[sflag:s8] =	ssyncset.done $0x0  }
.LBB2_3:
0x1f0: {  	[sflag:s8] =	ssyncadd.s32 @p0 $0xFFFFFE00;
	s0 =	rddreg [dreg:$0x7]  }
0x1f1: {  	[tilespmem:s13], [sflag:$0x1] =	stream.linear.gather [hbm4b:s1+s3], $0x80, $0x38;
	[tilespmem:$0x9100] =	vst v63  }
0x1f2: {  	s31 =	rddreg [dreg:$0x8]  }
0x1f3: {  	[tilespmem:s3], [sflag:$0x1] =	stream.linear.gather [hbm4b:s0+s3], $0x4000, $0x38;
	[tilespmem:$0x9100] =	vst v63  }
0x1f4: {  	[spmem:s22], [sflag:s20] =	dma.local [hbm:s31], $0x200  }
0x1f5: {  	_ =	swait.ge [sflag:s8], $0x200  }
0x1f6: {  	[sflag:s8] =	ssyncset.done $0x0  }
0x1f7: {  	[sflag:s8] =	ssyncadd.s32 $0xFFFFFE00  }
0x1f8: {  	[bflag:$0x0] =	sbarrier.arrive $0xFFFF  }
0x1f9: {  	s4 =	rddreg [dreg:$0x9]  }
0x1fa: {  	[tilespmem:s10], [sflag:$0x2] =	stream.linear.gather [hbm4b:s4+s3], $0x80, $0x38;
	[tilespmem:$0x9100] =	vst v63  }
0x1fb: {  	s6 =	rddreg [dreg:$0xa]  }
0x1fc: {  	[tilespmem:s11], [sflag:$0x2] =	stream.linear.gather [hbm4b:s6+s3], $0x4000, $0x38;
	[tilespmem:$0x9100] =	vst v63  }
0x1fd: {  	_ =	swait.ge [sflag:s17], $0x80  }
0x1fe: {  	[sflag:s17] =	ssyncset.done $0x0  }
0x1ff: {  	[sflag:s17] =	ssyncadd.s32 $0xFFFFFF80  }
0x200: {  	_ =	swait.ge [sflag:s17], $0x4000  }
0x201: {  	[sflag:s17] =	ssyncset.done $0x0  }
0x202: {  	[sflag:s17] =	ssyncadd.s32 $0xFFFFC000  }
0x203: {  	[spmem:s2] =	stream.indirect.scatter.add.f32 [tilespmem:s3], [sflag:$0x3], $0x80, s13, s12, $0xb8;
	[tilespmem:$0x9100] =	vst v63  }
0x204: {  	_ =	swait.ge [sflag:s8], $0x4000  }
0x205: {  	[sflag:s8] =	ssyncset.done $0x0  }
0x206: {  	s7 =	rddreg [dreg:$0xb];
	[sflag:s8] =	ssyncadd.s32 $0xFFFFC000  }
0x207: {  	[tilespmem:s13], [sflag:$0x1] =	stream.linear.gather [hbm4b:s7+s3], $0x80, $0x38;
	[tilespmem:$0x9100] =	vst v63  }
0x208: {  	s31 =	rddreg [dreg:$0xc]  }
0x209: {  	[tilespmem:s3], [sflag:$0x1] =	stream.linear.gather [hbm4b:s31+s3], $0x4000, $0x38;
	[tilespmem:$0x9100] =	vst v63  }
0x20a: {  	_ =	swait.ge [sflag:s14], $0x80  }
0x20b: {  	[sflag:s14] =	ssyncset.done $0x0  }
0x20c: {  	[sflag:s14] =	ssyncadd.s32 $0xFFFFFF80  }
0x20d: {  	_ =	swait.ge [sflag:s14], $0x4000  }
0x20e: {  	[sflag:s14] =	ssyncset.done $0x0  }
0x20f: {  	[sflag:s14] =	ssyncadd.s32 $0xFFFFC000  }
0x210: {  	[spmem:s2] =	stream.indirect.scatter.add.f32 [tilespmem:s11], [sflag:$0x3], $0x80, s10, s12, $0xb8;
	[tilespmem:$0x9100] =	vst v63  }
0x211: {  	_ =	swait.ge [sflag:s8], $0x4000  }
0x212: {  	[sflag:s8] =	ssyncset.done $0x0  }
0x213: {  	s4 =	rddreg [dreg:$0xd];
	[sflag:s8] =	ssyncadd.s32 $0xFFFFC000  }
0x214: {  	[tilespmem:s10], [sflag:$0x2] =	stream.linear.gather [hbm4b:s4+s3], $0x80, $0x38;
	[tilespmem:$0x9100] =	vst v63  }
0x215: {  	s6 =	rddreg [dreg:$0xe]  }
0x216: {  	[tilespmem:s11], [sflag:$0x2] =	stream.linear.gather [hbm4b:s6+s3], $0x4000, $0x38;
	[tilespmem:$0x9100] =	vst v63  }
0x217: {  	_ =	swait.ge [sflag:s17], $0x80  }
0x218: {  	[sflag:s17] =	ssyncset.done $0x0  }
0x219: {  	[sflag:s17] =	ssyncadd.s32 $0xFFFFFF80  }
0x21a: {  	_ =	swait.ge [sflag:s17], $0x4000  }
0x21b: {  	[sflag:s17] =	ssyncset.done $0x0  }
0x21c: {  	[sflag:s17] =	ssyncadd.s32 $0xFFFFC000  }
0x21d: {  	[spmem:s2] =	stream.indirect.scatter.add.f32 [tilespmem:s3], [sflag:$0x3], $0x80, s13, s12, $0xb8;
	[tilespmem:$0x9100] =	vst v63  }
0x21e: {  	_ =	swait.ge [sflag:s8], $0x4000  }
0x21f: {  	[sflag:s8] =	ssyncset.done $0x0  }
0x220: {  	s7 =	rddreg [dreg:$0xf];
	[sflag:s8] =	ssyncadd.s32 $0xFFFFC000  }
0x221: {  	[tilespmem:s13], [sflag:$0x1] =	stream.linear.gather [hbm4b:s7+s3], $0x80, $0x38;
	[tilespmem:$0x9100] =	vst v63  }
0x222: {  	s31 =	rddreg [dreg:$0x10]  }
0x223: {  	[tilespmem:s3], [sflag:$0x1] =	stream.linear.gather [hbm4b:s31+s3], $0x4000, $0x38;
	[tilespmem:$0x9100] =	vst v63  }
0x224: {  	_ =	swait.ge [sflag:s14], $0x80  }
0x225: {  	[sflag:s14] =	ssyncset.done $0x0  }
0x226: {  	[sflag:s14] =	ssyncadd.s32 $0xFFFFFF80  }
0x227: {  	_ =	swait.ge [sflag:s14], $0x4000  }
0x228: {  	[sflag:s14] =	ssyncset.done $0x0  }
0x229: {  	[sflag:s14] =	ssyncadd.s32 $0xFFFFC000  }
0x22a: {  	[spmem:s2] =	stream.indirect.scatter.add.f32 [tilespmem:s11], [sflag:$0x3], $0x80, s10, s12, $0xb8;
	[tilespmem:$0x9100] =	vst v63  }
0x22b: {  	_ =	swait.ge [sflag:s8], $0x4000  }
0x22c: {  	[sflag:s8] =	ssyncset.done $0x0  }
0x22d: {  	s4 =	rddreg [dreg:$0x11];
	[sflag:s8] =	ssyncadd.s32 $0xFFFFC000  }
0x22e: {  	[tilespmem:s10], [sflag:$0x2] =	stream.linear.gather [hbm4b:s4+s3], $0x80, $0x38;
	[tilespmem:$0x9100] =	vst v63  }
0x22f: {  	s6 =	rddreg [dreg:$0x12]  }
0x230: {  	[tilespmem:s11], [sflag:$0x2] =	stream.linear.gather [hbm4b:s6+s3], $0x4000, $0x38;
	[tilespmem:$0x9100] =	vst v63  }
0x231: {  	_ =	swait.ge [sflag:s17], $0x80  }
0x232: {  	[sflag:s17] =	ssyncset.done $0x0  }
0x233: {  	[sflag:s17] =	ssyncadd.s32 $0xFFFFFF80  }
0x234: {  	_ =	swait.ge [sflag:s17], $0x4000  }
0x235: {  	[sflag:s17] =	ssyncset.done $0x0  }
0x236: {  	[sflag:s17] =	ssyncadd.s32 $0xFFFFC000  }
0x237: {  	[spmem:s2] =	stream.indirect.scatter.add.f32 [tilespmem:s3], [sflag:$0x3], $0x80, s13, s12, $0xb8;
	[tilespmem:$0x9100] =	vst v63  }
0x238: {  	_ =	swait.ge [sflag:s8], $0x4000  }
0x239: {  	[sflag:s8] =	ssyncset.done $0x0  }
0x23a: {  	s7 =	rddreg [dreg:$0x13];
	[sflag:s8] =	ssyncadd.s32 $0xFFFFC000  }
0x23b: {  	[tilespmem:s13], [sflag:$0x1] =	stream.linear.gather [hbm4b:s7+s3], $0x80, $0x38;
	[tilespmem:$0x9100] =	vst v63  }
0x23c: {  	s31 =	rddreg [dreg:$0x14]  }
0x23d: {  	[tilespmem:s3], [sflag:$0x1] =	stream.linear.gather [hbm4b:s31+s3], $0x4000, $0x38;
	[tilespmem:$0x9100] =	vst v63  }
0x23e: {  	_ =	swait.ge [sflag:s14], $0x80  }
0x23f: {  	[sflag:s14] =	ssyncset.done $0x0  }
0x240: {  	[sflag:s14] =	ssyncadd.s32 $0xFFFFFF80  }
0x241: {  	_ =	swait.ge [sflag:s14], $0x4000  }
0x242: {  	[sflag:s14] =	ssyncset.done $0x0  }
0x243: {  	[sflag:s14] =	ssyncadd.s32 $0xFFFFC000  }
0x244: {  	[spmem:s2] =	stream.indirect.scatter.add.f32 [tilespmem:s11], [sflag:$0x3], $0x80, s10, s12, $0xb8;
	[tilespmem:$0x9100] =	vst v63  }
0x245: {  	_ =	swait.ge [sflag:s8], $0x4000  }
0x246: {  	[sflag:s8] =	ssyncset.done $0x0  }
0x247: {  	s4 =	rddreg [dreg:$0x15];
	[sflag:s8] =	ssyncadd.s32 $0xFFFFC000  }
0x248: {  	[tilespmem:s10], [sflag:$0x2] =	stream.linear.gather [hbm4b:s4+s3], $0x80, $0x38;
	[tilespmem:$0x9100] =	vst v63  }
0x249: {  	_ = 	snop  }
0x24a: {  	[tilespmem:s11], [sflag:$0x2] =	stream.linear.gather [hbm4b:s5+s3], $0x4000, $0x38;
	[tilespmem:$0x9100] =	vst v63  }
0x24b: {  	_ =	swait.ge [sflag:s17], $0x80  }
0x24c: {  	[sflag:s17] =	ssyncset.done $0x0  }
0x24d: {  	[sflag:s17] =	ssyncadd.s32 $0xFFFFFF80  }
0x24e: {  	_ =	swait.ge [sflag:s17], $0x4000  }
0x24f: {  	[sflag:s17] =	ssyncset.done $0x0  }
0x250: {  	[sflag:s17] =	ssyncadd.s32 $0xFFFFC000  }
0x251: {  	[spmem:s2] =	stream.indirect.scatter.add.f32 [tilespmem:s3], [sflag:$0x3], $0x80, s13, s12, $0xb8;
	[tilespmem:$0x9100] =	vst v63  }
0x252: {  	_ =	swait.ge [sflag:s8], $0x4000  }
0x253: {  	[sflag:s8] =	ssyncset.done $0x0  }
0x254: {  	s5 =	rddreg [dreg:$0x17];
	[sflag:s8] =	ssyncadd.s32 $0xFFFFC000  }
0x255: {  	[tilespmem:s13], [sflag:$0x1] =	stream.linear.gather [hbm4b:s5+s3], $0x80, $0x38;
	[tilespmem:$0x9100] =	vst v63  }
0x256: {  	_ = 	snop  }
0x257: {  	[tilespmem:s3], [sflag:$0x1] =	stream.linear.gather [hbm4b:s30+s3], $0x4000, $0x38;
	[tilespmem:$0x9100] =	vst v63  }
0x258: {  	_ =	swait.ge [sflag:s14], $0x80  }
0x259: {  	[sflag:s14] =	ssyncset.done $0x0  }
0x25a: {  	[sflag:s14] =	ssyncadd.s32 $0xFFFFFF80  }
0x25b: {  	_ =	swait.ge [sflag:s14], $0x4000  }
0x25c: {  	[sflag:s14] =	ssyncset.done $0x0  }
0x25d: {  	[sflag:s14] =	ssyncadd.s32 $0xFFFFC000  }
0x25e: {  	[spmem:s2] =	stream.indirect.scatter.add.f32 [tilespmem:s11], [sflag:$0x3], $0x80, s10, s12, $0xb8;
	[tilespmem:$0x9100] =	vst v63  }
0x25f: {  	_ =	swait.ge [sflag:s8], $0x4000  }
0x260: {  	[sflag:s8] =	ssyncset.done $0x0  }
0x261: {  	s6 =	rddreg [dreg:$0x18];
	[sflag:s8] =	ssyncadd.s32 $0xFFFFC000  }
0x262: {  	[tilespmem:s10], [sflag:$0x2] =	stream.linear.gather [hbm4b:s6+s3], $0x80, $0x38;
	[tilespmem:$0x9100] =	vst v63  }
0x263: {  	s7 =	rddreg [dreg:$0x1a]  }
0x264: {  	[tilespmem:s11], [sflag:$0x2] =	stream.linear.gather [hbm4b:s7+s3], $0x4000, $0x38;
	[tilespmem:$0x9100] =	vst v63  }
0x265: {  	_ =	swait.ge [sflag:s17], $0x80  }
0x266: {  	[sflag:s17] =	ssyncset.done $0x0  }
0x267: {  	[sflag:s17] =	ssyncadd.s32 $0xFFFFFF80  }
0x268: {  	_ =	swait.ge [sflag:s17], $0x4000  }
0x269: {  	[sflag:s17] =	ssyncset.done $0x0  }
0x26a: {  	[sflag:s17] =	ssyncadd.s32 $0xFFFFC000  }
0x26b: {  	[spmem:s2] =	stream.indirect.scatter.add.f32 [tilespmem:s3], [sflag:$0x3], $0x80, s13, s12, $0xb8;
	[tilespmem:$0x9100] =	vst v63  }
0x26c: {  	_ =	swait.ge [sflag:s8], $0x4000  }
0x26d: {  	[sflag:s8] =	ssyncset.done $0x0  }
0x26e: {  	s30 =	rddreg [dreg:$0x19];
	[sflag:s8] =	ssyncadd.s32 $0xFFFFC000  }
0x26f: {  	[tilespmem:s13], [sflag:$0x1] =	stream.linear.gather [hbm4b:s30+s3], $0x80, $0x38;
	[tilespmem:$0x9100] =	vst v63  }
0x270: {  	_ = 	snop  }
0x271: {  	[tilespmem:s3], [sflag:$0x1] =	stream.linear.gather [hbm4b:s28+s3], $0x4000, $0x38;
	[tilespmem:$0x9100] =	vst v63  }
0x272: {  	_ =	swait.ge [sflag:s14], $0x80  }
0x273: {  	[sflag:s14] =	ssyncset.done $0x0  }
0x274: {  	[sflag:s14] =	ssyncadd.s32 $0xFFFFFF80  }
0x275: {  	_ =	swait.ge [sflag:s14], $0x4000  }
0x276: {  	[sflag:s14] =	ssyncset.done $0x0  }
0x277: {  	[sflag:s14] =	ssyncadd.s32 $0xFFFFC000  }
0x278: {  	[spmem:s2] =	stream.indirect.scatter.add.f32 [tilespmem:s11], [sflag:$0x3], $0x80, s10, s12, $0xb8;
	[tilespmem:$0x9100] =	vst v63  }
0x279: {  	_ =	swait.ge [sflag:s8], $0x4000  }
0x27a: {  	[sflag:s8] =	ssyncset.done $0x0  }
0x27b: {  	[sflag:s8] =	ssyncadd.s32 $0xFFFFC000  }
0x27c: {  	[tilespmem:s10], [sflag:$0x2] =	stream.linear.gather [hbm4b:s29+s3], $0x80, $0x38;
	[tilespmem:$0x9100] =	vst v63  }
0x27d: {  	_ = 	snop  }
0x27e: {  	[tilespmem:s11], [sflag:$0x2] =	stream.linear.gather [hbm4b:s25+s3], $0x4000, $0x38;
	[tilespmem:$0x9100] =	vst v63  }
0x27f: {  	_ =	swait.ge [sflag:s17], $0x80  }
0x280: {  	[sflag:s17] =	ssyncset.done $0x0  }
0x281: {  	[sflag:s17] =	ssyncadd.s32 $0xFFFFFF80  }
0x282: {  	_ =	swait.ge [sflag:s17], $0x4000  }
0x283: {  	[sflag:s17] =	ssyncset.done $0x0  }
0x284: {  	[sflag:s17] =	ssyncadd.s32 $0xFFFFC000  }
0x285: {  	[spmem:s2] =	stream.indirect.scatter.add.f32 [tilespmem:s3], [sflag:$0x3], $0x80, s13, s12, $0xb8;
	[tilespmem:$0x9100] =	vst v63  }
0x286: {  	_ =	swait.ge [sflag:s8], $0x4000  }
0x287: {  	[sflag:s8] =	ssyncset.done $0x0  }
0x288: {  	[sflag:s8] =	ssyncadd.s32 $0xFFFFC000  }
0x289: {  	[tilespmem:s13], [sflag:$0x1] =	stream.linear.gather [hbm4b:s24+s3], $0x80, $0x38;
	[tilespmem:$0x9100] =	vst v63  }
0x28a: {  	_ = 	snop  }
0x28b: {  	[tilespmem:s3], [sflag:$0x1] =	stream.linear.gather [hbm4b:s23+s3], $0x4000, $0x38;
	[tilespmem:$0x9100] =	vst v63  }
0x28c: {  	_ =	swait.ge [sflag:s14], $0x80  }
0x28d: {  	[sflag:s14] =	ssyncset.done $0x0  }
0x28e: {  	[sflag:s14] =	ssyncadd.s32 $0xFFFFFF80  }
0x28f: {  	_ =	swait.ge [sflag:s14], $0x4000  }
0x290: {  	[sflag:s14] =	ssyncset.done $0x0  }
0x291: {  	[sflag:s14] =	ssyncadd.s32 $0xFFFFC000  }
0x292: {  	[spmem:s2] =	stream.indirect.scatter.add.f32 [tilespmem:s11], [sflag:$0x3], $0x80, s10, s12, $0xb8;
	[tilespmem:$0x9100] =	vst v63  }
0x293: {  	_ =	swait.ge [sflag:s8], $0x4000  }
0x294: {  	[sflag:s8] =	ssyncset.done $0x0  }
0x295: {  	[sflag:s8] =	ssyncadd.s32 $0xFFFFC000  }
0x296: {  	[tilespmem:s10], [sflag:$0x2] =	stream.linear.gather [hbm4b:s16+s3], $0x80, $0x38;
	[tilespmem:$0x9100] =	vst v63  }
0x297: {  	_ = 	snop  }
0x298: {  	[tilespmem:s11], [sflag:$0x2] =	stream.linear.gather [hbm4b:s21+s3], $0x4000, $0x38;
	[tilespmem:$0x9100] =	vst v63  }
0x299: {  	_ =	swait.ge [sflag:s17], $0x80  }
0x29a: {  	[sflag:s17] =	ssyncset.done $0x0  }
0x29b: {  	[sflag:s17] =	ssyncadd.s32 $0xFFFFFF80  }
0x29c: {  	_ =	swait.ge [sflag:s17], $0x4000  }
0x29d: {  	[sflag:s17] =	ssyncset.done $0x0  }
0x29e: {  	[sflag:s17] =	ssyncadd.s32 $0xFFFFC000  }
0x29f: {  	[spmem:s2] =	stream.indirect.scatter.add.f32 [tilespmem:s3], [sflag:$0x3], $0x80, s13, s12, $0xb8;
	[tilespmem:$0x9100] =	vst v63  }
0x2a0: {  	_ =	swait.ge [sflag:s8], $0x4000  }
0x2a1: {  	[sflag:s8] =	ssyncset.done $0x0  }
0x2a2: {  	[sflag:s8] =	ssyncadd.s32 $0xFFFFC000  }
0x2a3: {  	[tilespmem:s13], [sflag:$0x1] =	stream.linear.gather [hbm4b:s9+s3], $0x80, $0x38;
	[tilespmem:$0x9100] =	vst v63  }
0x2a4: {  	_ = 	snop  }
0x2a5: {  	[tilespmem:s3], [sflag:$0x1] =	stream.linear.gather [hbm4b:s19+s3], $0x4000, $0x38;
	[tilespmem:$0x9100] =	vst v63  }
0x2a6: {  	_ =	swait.ge [sflag:s14], $0x80  }
0x2a7: {  	[sflag:s14] =	ssyncset.done $0x0  }
0x2a8: {  	[sflag:s14] =	ssyncadd.s32 $0xFFFFFF80  }
0x2a9: {  	_ =	swait.ge [sflag:s14], $0x4000  }
0x2aa: {  	[sflag:s14] =	ssyncset.done $0x0  }
0x2ab: {  	[sflag:s14] =	ssyncadd.s32 $0xFFFFC000  }
0x2ac: {  	[spmem:s2] =	stream.indirect.scatter.add.f32 [tilespmem:s11], [sflag:$0x3], $0x80, s10, s12, $0xb8;
	[tilespmem:$0x9100] =	vst v63  }
0x2ad: {  	_ =	swait.ge [sflag:s8], $0x4000  }
0x2ae: {  	[sflag:s8] =	ssyncset.done $0x0  }
0x2af: {  	[sflag:s8] =	ssyncadd.s32 $0xFFFFC000  }
0x2b0: {  	[tilespmem:s10], [sflag:$0x2] =	stream.linear.gather [hbm4b:s26+s3], $0x80, $0x38;
	[tilespmem:$0x9100] =	vst v63  }
0x2b1: {  	_ = 	snop  }
0x2b2: {  	[tilespmem:s11], [sflag:$0x2] =	stream.linear.gather [hbm4b:s15+s3], $0x4000, $0x38;
	[tilespmem:$0x9100] =	vst v63  }
0x2b3: {  	_ =	swait.ge [sflag:s17], $0x80  }
0x2b4: {  	[sflag:s17] =	ssyncset.done $0x0  }
0x2b5: {  	[sflag:s17] =	ssyncadd.s32 $0xFFFFFF80  }
0x2b6: {  	_ =	swait.ge [sflag:s17], $0x4000  }
0x2b7: {  	[sflag:s17] =	ssyncset.done $0x0  }
0x2b8: {  	[sflag:s17] =	ssyncadd.s32 $0xFFFFC000  }
0x2b9: {  	[spmem:s2] =	stream.indirect.scatter.add.f32 [tilespmem:s3], [sflag:$0x3], $0x80, s13, s12, $0xb8;
	[tilespmem:$0x9100] =	vst v63  }
0x2ba: {  	_ =	swait.ge [sflag:s8], $0x4000  }
0x2bb: {  	[sflag:s8] =	ssyncset.done $0x0  }
0x2bc: {  	[sflag:s8] =	ssyncadd.s32 $0xFFFFC000  }
0x2bd: {  	_ =	swait.ge [sflag:s14], $0x80  }
0x2be: {  	[sflag:s14] =	ssyncset.done $0x0  }
0x2bf: {  	[sflag:s14] =	ssyncadd.s32 $0xFFFFFF80  }
0x2c0: {  	_ =	swait.ge [sflag:s14], $0x4000  }
0x2c1: {  	[sflag:s14] =	ssyncset.done $0x0  }
0x2c2: {  	[sflag:s14] =	ssyncadd.s32 $0xFFFFC000  }
0x2c3: {  	[spmem:s2] =	stream.indirect.scatter.add.f32 [tilespmem:s11], [sflag:$0x3], $0x80, s10, s12, $0xb8;
	[tilespmem:$0x9100] =	vst v63  }
0x2c4: {  	_ =	swait.ge [sflag:s8], $0x4000  }
0x2c5: {  	[sflag:s8] =	ssyncset.done $0x0  }
0x2c6: {  	[sflag:s8] =	ssyncadd.s32 $0xFFFFC000  }
0x2c7: {  	[bflag:$0x0] =	sbarrier.arrive $0xFFFF  }
0x2c8: {  	[hbm:s18], [sflag:s20] =	dma.local [spmem:s22], $0x200  }
0x2c9: {  	_ =	swait.ge [sflag:s8], $0x200  }
0x2ca: {  	[sflag:s8] =	ssyncset.done $0x0  }
0x2cb: {  	[sflag:s8] =	ssyncadd.s32 $0xFFFFFE00  }
0x2cc: {  	_ =	sfence.sel $0x180000  }
0x2cd: {  	[bflag:$0x0] =	sbarrier.arrive $0xFFFF  }
0x2ce: {  	_ =	strace $0x90000047  }
0x2cf: {  	s31 =	stileid.u32;
	[bflag:$0x2] =	sbarrier.arrive $0xFFFF  }
0x2d0: {  	p0 =	sne.s32 s31, $0x0;
	s0 =	rddreg [dreg:$0x5]  }
0x2d1: {  	s0 =	sadd.s32 @!p0 $0x100000, s0  }
0x2d2: {  	[sflag:s0] =	ssyncadd.tile.s32 @!p0 $0x1;
	_ =	shalt  }
.Lfunc_end2:
_tile_overlayer_lowered:
.L_overlay_start_2:
0x2d3: {  	(tag) =	ssettag $0x2  }
0x2d4: {  	s0 =	rddreg [dreg:$0x0];
	s2 =	stileid.u32  }
0x2d5: {  	s1 =	rddreg [dreg:$0x1];
	p0 =	sne.s32 s2, $0x0  }
0x2d6: {  	s3 =	rddreg [dreg:$0x2];
	[bflag:$0x3] =	sbarrier.arrive $0xFFFF;
	s2 =	simm.s32 @!p0 $0x1C03  }
0x2d7: {  	[timem:s3], [sflag:s2] =	dma.local @!p0 [hbm:s0], s1  }
0x2d8: {  	s0 =	simm.s32 @!p0 $0x3  }
0x2d9: {  	_ =	swait.ge @!p0 [sflag:s0], s1  }
0x2da: {  	s1 =	ssub.s32 @!p0 $0x0, s1;
	[sflag:s0] =	ssyncset.done @!p0 $0x0  }
0x2db: {  	[sflag:s0] =	ssyncadd.s32 @!p0 s1  }
0x2dc: {  	[bflag:$0x3] =	sbarrier.arrive $0xFFFF  }
0x2dd: {  	_ =	shalt  }

</sc_bundles>
